<compile_context>
chip_gen: v7x
topology: tpu7x:2x2x1
jax: 0.10.2.dev20260603
libtpu: 0.0.44.dev20260713+nightly
codegen_flags: <defaults>
</compile_context>

<pallas_src>
import functools

import jax
import jax.numpy as jnp
from jax import lax
from jax.experimental import pallas as pl
from jax.experimental.pallas import tpu as pltpu
from jax.experimental.pallas import tpu_sc as plsc

VOCAB = 100000
EMBED = 64
N_FEAT = 36
HIDDEN = 1024
N_CLASSES = 3
BATCH = 4096
FAN_IN = N_FEAT * EMBED

NC = 2
NS = 16
NW = NC * NS
TOTAL = BATCH * N_FEAT
PER_W = TOTAL // NW
CHUNK = 256
NCH = PER_W // CHUNK
NRING = 6
LAG = 2
NGRP = NCH // NRING


def _sc_gather(embeddings, idx_flat):
    mesh = plsc.VectorSubcoreMesh(core_axis_name="c", subcore_axis_name="s")

    @functools.partial(
        pl.kernel,
        out_type=jax.ShapeDtypeStruct((TOTAL, EMBED), jnp.float32),
        mesh=mesh,
        scratch_types=(
            [pltpu.VMEM((PER_W,), jnp.int32),
             pltpu.VMEM((NRING, CHUNK, EMBED), jnp.float32)]
            + [pltpu.SemaphoreType.DMA] * (2 * NRING)
        ),
        compiler_params=pltpu.CompilerParams(use_tc_tiling_on_sc=False),
    )
    def gather_kernel(table_hbm, idx_hbm, out_hbm, idx_v, rows_v, *sems):
        gsems = sems[:NRING]
        wsems = sems[NRING:]
        wid = lax.axis_index("c") * NS + lax.axis_index("s")
        base = wid * PER_W
        pltpu.sync_copy(idx_hbm.at[pl.ds(base, PER_W)], idx_v)

        def fire_gather(j, b):
            pltpu.async_copy(
                table_hbm.at[idx_v.at[pl.ds(j * CHUNK, CHUNK)]],
                rows_v.at[b], gsems[b])

        def drain_gather(b):
            pltpu.make_async_copy(
                table_hbm.at[idx_v.at[pl.ds(0, CHUNK)]],
                rows_v.at[b], gsems[b]).wait()

        def fire_write(j, b):
            pltpu.async_copy(
                rows_v.at[b],
                out_hbm.at[pl.ds(base + j * CHUNK, CHUNK)], wsems[b])

        def drain_write(b):
            pltpu.make_async_copy(
                rows_v.at[b],
                out_hbm.at[pl.ds(base, CHUNK)], wsems[b]).wait()

        for b in range(NRING - LAG):
            fire_gather(b, b)

        def body(g, carry):
            for b in range(NRING):
                j = g * NRING + b
                drain_gather(b)
                fire_write(j, b)
                bb = (b - LAG) % NRING
                jj = j + NRING - LAG

                @pl.when(j >= LAG)
                def _():
                    drain_write(bb)

                @pl.when(jj < NCH)
                def _():
                    fire_gather(jj, bb)

            return carry

        lax.fori_loop(0, NGRP, body, 0)
        for i in range(LAG):
            drain_write((NCH - LAG + i) % NRING)

    return gather_kernel(embeddings, idx_flat)


BM = 512


def _mlp_body(x_ref, w1_ref, b1_ref, w2_ref, b2_ref, o_ref):
    x = x_ref[...].astype(jnp.bfloat16)
    h = lax.dot_general(x, w1_ref[...], (((1,), (1,)), ((), ())),
                        preferred_element_type=jnp.float32)
    h = jnp.maximum(h + b1_ref[...], 0.0).astype(jnp.bfloat16)
    o = lax.dot_general(h, w2_ref[...], (((1,), (1,)), ((), ())),
                        preferred_element_type=jnp.float32)
    o_ref[...] = o + b2_ref[...]


def _tc_mlp(x, W1b, b1, W2b, b2):
    grid = (BATCH // BM,)
    return pl.pallas_call(
        _mlp_body,
        grid=grid,
        in_specs=[
            pl.BlockSpec((BM, FAN_IN), lambda i: (i, 0)),
            pl.BlockSpec((HIDDEN, FAN_IN), lambda i: (0, 0)),
            pl.BlockSpec((1, HIDDEN), lambda i: (0, 0)),
            pl.BlockSpec((N_CLASSES, HIDDEN), lambda i: (0, 0)),
            pl.BlockSpec((1, N_CLASSES), lambda i: (0, 0)),
        ],
        out_specs=pl.BlockSpec((BM, N_CLASSES), lambda i: (i, 0)),
        out_shape=jax.ShapeDtypeStruct((BATCH, N_CLASSES), jnp.float32),
        compiler_params=pltpu.CompilerParams(
            dimension_semantics=("arbitrary",),
        ),
    )(x, W1b, b1, W2b, b2)


def kernel(t, embeddings, W1, b1, W2, b2):
    idx_flat = t.astype(jnp.int32).reshape(TOTAL)
    x = _sc_gather(embeddings, idx_flat).reshape(BATCH, FAN_IN)
    W1b = W1.astype(jnp.bfloat16)
    W2b = W2.astype(jnp.bfloat16)
    return _tc_mlp(x, W1b, b1.reshape(1, HIDDEN), W2b, b2.reshape(1, N_CLASSES))

# --- scband reference (transcript-rebuilt; emitter-appended) ---
"""Pipeline reference for scband-parser-model-17136919511632 (READ-ONLY COPY).

The authoritative reference and input builder live on the scoring server;
editing this copy changes nothing except your own understanding.
"""

import jax, jax.numpy as jnp
import numpy as np

VOCAB = 100000
EMBED = 64
N_FEAT = 36
HIDDEN = 1024
N_CLASSES = 3
BATCH = 4096

def setup_inputs(seed: int = 0) -> dict:
    key = jax.random.key(seed)
    k_emb, k_t, k_w1, k_b1, k_w2, k_b2 = jax.random.split(key, 6)
    embeddings = jax.random.normal(k_emb, (VOCAB, EMBED), dtype=jnp.float32)
    t = jax.random.randint(k_t, (BATCH, N_FEAT), 0, VOCAB, dtype=jnp.int64)
    fan_in1 = N_FEAT * EMBED
    limit1 = float(np.sqrt(6.0 / (fan_in1 + HIDDEN)))
    W1 = jax.random.uniform(k_w1, (HIDDEN, fan_in1), dtype=jnp.float32, minval=-limit1, maxval=limit1)
    b1 = jnp.zeros((HIDDEN,), dtype=jnp.float32)
    limit2 = float(np.sqrt(6.0 / (HIDDEN + N_CLASSES)))
    W2 = jax.random.uniform(k_w2, (N_CLASSES, HIDDEN), dtype=jnp.float32, minval=-limit2, maxval=limit2)
    b2 = jnp.zeros((N_CLASSES,), dtype=jnp.float32)
    return {"t": t, "embeddings": embeddings, "W1": W1, "b1": b1, "W2": W2, "b2": b2}

def reference(t, embeddings, W1, b1, W2, b2):
    # embedding_lookup: gather rows then flatten per example
    x = jnp.take(embeddings, t, axis=0)            # (B, n_features, embed)
    x = x.reshape(x.shape[0], x.shape[1] * x.shape[2])  # (B, n_features*embed)
    h = jax.nn.relu(x @ W1.T + b1)                 # (B, hidden)
    # dropout is identity in eval mode
    logits = h @ W2.T + b2                         # (B, n_classes)
    return logits

if __name__ == "__main__":
    import jax
    _d = setup_inputs()
    print(jax.jit(kernel)(*tuple(_d.values())))

</pallas_src>

<mosaic_0001>
#map = affine_map<(d0, d1) -> (0, 0)>
#map1 = affine_map<(d0, d1) -> (0)>
module attributes {stable_mosaic.version = 14 : i64} {
  func.func @gather_kernel(%arg0: i32, %arg1: i32, %arg2: memref<100000x64xf32, #tpu.memory_space<hbm>>, %arg3: memref<147456xi32, #tpu.memory_space<hbm>>, %arg4: memref<147456x64xf32, #tpu.memory_space<hbm>>, %arg5: memref<4608xi32, #tpu.memory_space<vmem>>, %arg6: memref<6x256x64xf32, #tpu.memory_space<vmem>>, %arg7: memref<!tpu.dma_semaphore, #tpu.memory_space<semaphore_mem>>, %arg8: memref<!tpu.dma_semaphore, #tpu.memory_space<semaphore_mem>>, %arg9: memref<!tpu.dma_semaphore, #tpu.memory_space<semaphore_mem>>, %arg10: memref<!tpu.dma_semaphore, #tpu.memory_space<semaphore_mem>>, %arg11: memref<!tpu.dma_semaphore, #tpu.memory_space<semaphore_mem>>, %arg12: memref<!tpu.dma_semaphore, #tpu.memory_space<semaphore_mem>>, %arg13: memref<!tpu.dma_semaphore, #tpu.memory_space<semaphore_mem>>, %arg14: memref<!tpu.dma_semaphore, #tpu.memory_space<semaphore_mem>>, %arg15: memref<!tpu.dma_semaphore, #tpu.memory_space<semaphore_mem>>, %arg16: memref<!tpu.dma_semaphore, #tpu.memory_space<semaphore_mem>>, %arg17: memref<!tpu.dma_semaphore, #tpu.memory_space<semaphore_mem>>, %arg18: memref<!tpu.dma_semaphore, #tpu.memory_space<semaphore_mem>>) attributes {dimension_semantics = [#tpu.dimension_semantics<core_parallel>, #tpu.dimension_semantics<subcore_parallel>], iteration_bounds = array<i64: 2, 16>, scalar_prefetch = 0 : i64, scratch_operands = 14 : i64, tpu.core_type = #tpu.core_type<sc_vector_subcore>, window_params = [{transform_indices = #map}, {transform_indices = #map1}, {transform_indices = #map}]} {
    %mul3A = arith.constant 16 : i32
    %mul3A_0 = arith.muli %arg0, %mul3A : i32
    %add3A = arith.addi %mul3A_0, %arg1 : i32
    %mul3A_1 = arith.constant 4608 : i32
    %mul3A_2 = arith.muli %add3A, %mul3A_1 : i32
    "tpu.region"() ({
      %run_scoped3A = tpu.sem_alloc : memref<!tpu.dma_semaphore, #tpu.memory_space<semaphore_mem>>
      %dma_start3A_72 = tpu.memref_slice %arg3[%mul3A_2] : memref<147456xi32, #tpu.memory_space<hbm>> -> memref<4608xi32, #tpu.memory_space<hbm>>
      %dma_start3A_73 = tpu.memref_slice %arg3[%mul3A_2] : memref<147456xi32, #tpu.memory_space<hbm>> -> memref<4608xi32, #tpu.memory_space<hbm>>
      tpu.enqueue_dma source(%dma_start3A_73 : memref<4608xi32, #tpu.memory_space<hbm>>) target(%arg5 : memref<4608xi32, #tpu.memory_space<vmem>>) target_semaphore(%run_scoped3A : memref<!tpu.dma_semaphore, #tpu.memory_space<semaphore_mem>>)
      %dma_wait3A_74 = tpu.memref_slice %arg3[%mul3A_2] : memref<147456xi32, #tpu.memory_space<hbm>> -> memref<4608xi32, #tpu.memory_space<hbm>>
      %dma_wait3A_75 = tpu.memref_slice %arg3[%mul3A_2] : memref<147456xi32, #tpu.memory_space<hbm>> -> memref<4608xi32, #tpu.memory_space<hbm>>
      tpu.wait_dma2 semaphore(%run_scoped3A : memref<!tpu.dma_semaphore, #tpu.memory_space<semaphore_mem>>) src(%dma_wait3A_75 : memref<4608xi32, #tpu.memory_space<hbm>>) dst(%arg5 : memref<4608xi32, #tpu.memory_space<vmem>>)
      tpu.yield
    }) : () -> ()
    %dma_start3A = arith.constant 0 : i32
    %dma_start3A_3 = arith.constant 0 : i32
    %dma_start3A_4 = arith.constant 0 : i32
    %dma_start3A_5 = tpu.memref_slice %arg6[%dma_start3A, %dma_start3A_3, %dma_start3A_4] : memref<6x256x64xf32, #tpu.memory_space<vmem>> -> memref<1x256x64xf32, #tpu.memory_space<vmem>>
    %dma_start3A_6 = tpu.memref_squeeze %dma_start3A_5 : memref<1x256x64xf32, #tpu.memory_space<vmem>> -> memref<256x64xf32, #tpu.memory_space<vmem>>
    %dma_start3A_7 = arith.constant 0 : i32
    %dma_start3A_8 = tpu.memref_slice %arg5[%dma_start3A_7] : memref<4608xi32, #tpu.memory_space<vmem>> -> memref<256xi32, #tpu.memory_space<vmem>>
    %dma_start3A_9 = arith.constant 0 : i32
    %dma_start3A_10 = arith.constant 0 : i32
    %dma_start3A_11 = tpu.memref_slice %arg2[%dma_start3A_9, %dma_start3A_10] : memref<100000x64xf32, #tpu.memory_space<hbm>> -> memref<100000x64xf32, #tpu.memory_space<hbm>>
    tpu.enqueue_indirect_dma source(%dma_start3A_11 : memref<100000x64xf32, #tpu.memory_space<hbm>>) target(%dma_start3A_6 : memref<256x64xf32, #tpu.memory_space<vmem>>) offsets(%dma_start3A_8 : memref<256xi32, #tpu.memory_space<vmem>>) semaphore(%arg7 : memref<!tpu.dma_semaphore, #tpu.memory_space<semaphore_mem>>)
    %dma_start3A_12 = arith.constant 1 : i32
    %dma_start3A_13 = arith.constant 0 : i32
    %dma_start3A_14 = arith.constant 0 : i32
    %dma_start3A_15 = tpu.memref_slice %arg6[%dma_start3A_12, %dma_start3A_13, %dma_start3A_14] : memref<6x256x64xf32, #tpu.memory_space<vmem>> -> memref<1x256x64xf32, #tpu.memory_space<vmem>>
    %dma_start3A_16 = tpu.memref_squeeze %dma_start3A_15 : memref<1x256x64xf32, #tpu.memory_space<vmem>> -> memref<256x64xf32, #tpu.memory_space<vmem>>
    %dma_start3A_17 = arith.constant 256 : i32
    %dma_start3A_18 = tpu.memref_slice %arg5[%dma_start3A_17] : memref<4608xi32, #tpu.memory_space<vmem>> -> memref<256xi32, #tpu.memory_space<vmem>>
    %dma_start3A_19 = arith.constant 0 : i32
    %dma_start3A_20 = arith.constant 0 : i32
    %dma_start3A_21 = tpu.memref_slice %arg2[%dma_start3A_19, %dma_start3A_20] : memref<100000x64xf32, #tpu.memory_space<hbm>> -> memref<100000x64xf32, #tpu.memory_space<hbm>>
    tpu.enqueue_indirect_dma source(%dma_start3A_21 : memref<100000x64xf32, #tpu.memory_space<hbm>>) target(%dma_start3A_16 : memref<256x64xf32, #tpu.memory_space<vmem>>) offsets(%dma_start3A_18 : memref<256xi32, #tpu.memory_space<vmem>>) semaphore(%arg8 : memref<!tpu.dma_semaphore, #tpu.memory_space<semaphore_mem>>)
    %dma_start3A_22 = arith.constant 2 : i32
    %dma_start3A_23 = arith.constant 0 : i32
    %dma_start3A_24 = arith.constant 0 : i32
    %dma_start3A_25 = tpu.memref_slice %arg6[%dma_start3A_22, %dma_start3A_23, %dma_start3A_24] : memref<6x256x64xf32, #tpu.memory_space<vmem>> -> memref<1x256x64xf32, #tpu.memory_space<vmem>>
    %dma_start3A_26 = tpu.memref_squeeze %dma_start3A_25 : memref<1x256x64xf32, #tpu.memory_space<vmem>> -> memref<256x64xf32, #tpu.memory_space<vmem>>
    %dma_start3A_27 = arith.constant 512 : i32
    %dma_start3A_28 = tpu.memref_slice %arg5[%dma_start3A_27] : memref<4608xi32, #tpu.memory_space<vmem>> -> memref<256xi32, #tpu.memory_space<vmem>>
    %dma_start3A_29 = arith.constant 0 : i32
    %dma_start3A_30 = arith.constant 0 : i32
    %dma_start3A_31 = tpu.memref_slice %arg2[%dma_start3A_29, %dma_start3A_30] : memref<100000x64xf32, #tpu.memory_space<hbm>> -> memref<100000x64xf32, #tpu.memory_space<hbm>>
    tpu.enqueue_indirect_dma source(%dma_start3A_31 : memref<100000x64xf32, #tpu.memory_space<hbm>>) target(%dma_start3A_26 : memref<256x64xf32, #tpu.memory_space<vmem>>) offsets(%dma_start3A_28 : memref<256xi32, #tpu.memory_space<vmem>>) semaphore(%arg9 : memref<!tpu.dma_semaphore, #tpu.memory_space<semaphore_mem>>)
    %dma_start3A_32 = arith.constant 3 : i32
    %dma_start3A_33 = arith.constant 0 : i32
    %dma_start3A_34 = arith.constant 0 : i32
    %dma_start3A_35 = tpu.memref_slice %arg6[%dma_start3A_32, %dma_start3A_33, %dma_start3A_34] : memref<6x256x64xf32, #tpu.memory_space<vmem>> -> memref<1x256x64xf32, #tpu.memory_space<vmem>>
    %dma_start3A_36 = tpu.memref_squeeze %dma_start3A_35 : memref<1x256x64xf32, #tpu.memory_space<vmem>> -> memref<256x64xf32, #tpu.memory_space<vmem>>
    %dma_start3A_37 = arith.constant 768 : i32
    %dma_start3A_38 = tpu.memref_slice %arg5[%dma_start3A_37] : memref<4608xi32, #tpu.memory_space<vmem>> -> memref<256xi32, #tpu.memory_space<vmem>>
    %dma_start3A_39 = arith.constant 0 : i32
    %dma_start3A_40 = arith.constant 0 : i32
    %dma_start3A_41 = tpu.memref_slice %arg2[%dma_start3A_39, %dma_start3A_40] : memref<100000x64xf32, #tpu.memory_space<hbm>> -> memref<100000x64xf32, #tpu.memory_space<hbm>>
    tpu.enqueue_indirect_dma source(%dma_start3A_41 : memref<100000x64xf32, #tpu.memory_space<hbm>>) target(%dma_start3A_36 : memref<256x64xf32, #tpu.memory_space<vmem>>) offsets(%dma_start3A_38 : memref<256xi32, #tpu.memory_space<vmem>>) semaphore(%arg10 : memref<!tpu.dma_semaphore, #tpu.memory_space<semaphore_mem>>)
    %scan3A = arith.constant 0 : i32
    %scan3A_42 = arith.constant 0 : i32
    %scan3A_43 = arith.constant 3 : i32
    %scan3A_44 = arith.addi %scan3A_42, %scan3A_43 : i32
    %scan3A_45 = arith.constant 1 : i32
    scf.for %scan3A_72 = %scan3A_42 to %scan3A_44 step %scan3A_45  : i32 {
      %mul3A_73 = arith.constant 6 : i32
      %mul3A_74 = arith.muli %scan3A_72, %mul3A_73 : i32
      %add3A_75 = arith.constant 0 : i32
      %add3A_76 = arith.addi %mul3A_74, %add3A_75 : i32
      %dma_wait3A_77 = arith.constant 0 : i32
      %dma_wait3A_78 = arith.constant 0 : i32
      %dma_wait3A_79 = arith.constant 0 : i32
      %dma_wait3A_80 = tpu.memref_slice %arg6[%dma_wait3A_77, %dma_wait3A_78, %dma_wait3A_79] : memref<6x256x64xf32, #tpu.memory_space<vmem>> -> memref<1x256x64xf32, #tpu.memory_space<vmem>>
      %dma_wait3A_81 = tpu.memref_squeeze %dma_wait3A_80 : memref<1x256x64xf32, #tpu.memory_space<vmem>> -> memref<256x64xf32, #tpu.memory_space<vmem>>
      %dma_wait3A_82 = arith.constant 0 : i32
      %dma_wait3A_83 = tpu.memref_slice %arg5[%dma_wait3A_82] : memref<4608xi32, #tpu.memory_space<vmem>> -> memref<256xi32, #tpu.memory_space<vmem>>
      %dma_wait3A_84 = arith.constant 0 : i32
      %dma_wait3A_85 = arith.constant 0 : i32
      %dma_wait3A_86 = tpu.memref_slice %arg2[%dma_wait3A_84, %dma_wait3A_85] : memref<100000x64xf32, #tpu.memory_space<hbm>> -> memref<100000x64xf32, #tpu.memory_space<hbm>>
      tpu.wait_indirect_dma semaphore(%arg7 : memref<!tpu.dma_semaphore, #tpu.memory_space<semaphore_mem>>) src(%dma_wait3A_86 : memref<100000x64xf32, #tpu.memory_space<hbm>>) dst(%dma_wait3A_81 : memref<256x64xf32, #tpu.memory_space<vmem>>)
      %mul3A_87 = arith.constant 256 : i32
      %mul3A_88 = arith.muli %add3A_76, %mul3A_87 : i32
      %add3A_89 = arith.addi %mul3A_2, %mul3A_88 : i32
      %dma_start3A_90 = arith.constant 0 : i32
      %dma_start3A_91 = arith.constant 0 : i32
      %dma_start3A_92 = arith.constant 0 : i32
      %dma_start3A_93 = tpu.memref_slice %arg6[%dma_start3A_90, %dma_start3A_91, %dma_start3A_92] : memref<6x256x64xf32, #tpu.memory_space<vmem>> -> memref<1x256x64xf32, #tpu.memory_space<vmem>>
      %dma_start3A_94 = tpu.memref_squeeze %dma_start3A_93 : memref<1x256x64xf32, #tpu.memory_space<vmem>> -> memref<256x64xf32, #tpu.memory_space<vmem>>
      %dma_start3A_95 = arith.constant 0 : i32
      %dma_start3A_96 = tpu.memref_slice %arg4[%add3A_89, %dma_start3A_95] : memref<147456x64xf32, #tpu.memory_space<hbm>> -> memref<256x64xf32, #tpu.memory_space<hbm>>
      %dma_start3A_97 = arith.constant 0 : i32
      %dma_start3A_98 = tpu.memref_slice %arg4[%add3A_89, %dma_start3A_97] : memref<147456x64xf32, #tpu.memory_space<hbm>> -> memref<256x64xf32, #tpu.memory_space<hbm>>
      %dma_start3A_99 = arith.constant 0 : i32
      %dma_start3A_100 = arith.constant 0 : i32
      %dma_start3A_101 = tpu.memref_slice %arg6[%dma_start3A_90, %dma_start3A_99, %dma_start3A_100] : memref<6x256x64xf32, #tpu.memory_space<vmem>> -> memref<1x256x64xf32, #tpu.memory_space<vmem>>
      %dma_start3A_102 = tpu.memref_squeeze %dma_start3A_101 : memref<1x256x64xf32, #tpu.memory_space<vmem>> -> memref<256x64xf32, #tpu.memory_space<vmem>>
      tpu.enqueue_dma source(%dma_start3A_102 : memref<256x64xf32, #tpu.memory_space<vmem>>) target(%dma_start3A_98 : memref<256x64xf32, #tpu.memory_space<hbm>>) target_semaphore(%arg13 : memref<!tpu.dma_semaphore, #tpu.memory_space<semaphore_mem>>)
      %add3A_103 = arith.constant 6 : i32
      %add3A_104 = arith.addi %add3A_76, %add3A_103 : i32
      %sub3A = arith.constant 2 : i32
      %sub3A_105 = arith.subi %add3A_104, %sub3A : i32
      %ge3A = arith.constant 2 : i32
      %ge3A_106 = arith.cmpi sge, %add3A_76, %ge3A : i32
      %convert_element_type3A = arith.extui %ge3A_106 : i1 to i32
      %cond3A = arith.constant 0 : i32
      %cond3A_107 = arith.cmpi ne, %convert_element_type3A, %cond3A : i32
      scf.if %cond3A_107 {
        %dma_wait3A_332 = arith.constant 4 : i32
        %dma_wait3A_333 = arith.constant 0 : i32
        %dma_wait3A_334 = arith.constant 0 : i32
        %dma_wait3A_335 = tpu.memref_slice %arg6[%dma_wait3A_332, %dma_wait3A_333, %dma_wait3A_334] : memref<6x256x64xf32, #tpu.memory_space<vmem>> -> memref<1x256x64xf32, #tpu.memory_space<vmem>>
        %dma_wait3A_336 = tpu.memref_squeeze %dma_wait3A_335 : memref<1x256x64xf32, #tpu.memory_space<vmem>> -> memref<256x64xf32, #tpu.memory_space<vmem>>
        %dma_wait3A_337 = arith.constant 0 : i32
        %dma_wait3A_338 = tpu.memref_slice %arg4[%mul3A_2, %dma_wait3A_337] : memref<147456x64xf32, #tpu.memory_space<hbm>> -> memref<256x64xf32, #tpu.memory_space<hbm>>
        %dma_wait3A_339 = arith.constant 0 : i32
        %dma_wait3A_340 = tpu.memref_slice %arg4[%mul3A_2, %dma_wait3A_339] : memref<147456x64xf32, #tpu.memory_space<hbm>> -> memref<256x64xf32, #tpu.memory_space<hbm>>
        %dma_wait3A_341 = arith.constant 0 : i32
        %dma_wait3A_342 = arith.constant 0 : i32
        %dma_wait3A_343 = tpu.memref_slice %arg6[%dma_wait3A_332, %dma_wait3A_341, %dma_wait3A_342] : memref<6x256x64xf32, #tpu.memory_space<vmem>> -> memref<1x256x64xf32, #tpu.memory_space<vmem>>
        %dma_wait3A_344 = tpu.memref_squeeze %dma_wait3A_343 : memref<1x256x64xf32, #tpu.memory_space<vmem>> -> memref<256x64xf32, #tpu.memory_space<vmem>>
        tpu.wait_dma2 semaphore(%arg17 : memref<!tpu.dma_semaphore, #tpu.memory_space<semaphore_mem>>) src(%dma_wait3A_344 : memref<256x64xf32, #tpu.memory_space<vmem>>) dst(%dma_wait3A_340 : memref<256x64xf32, #tpu.memory_space<hbm>>)
      } else {
      }
      %lt3A = arith.constant 18 : i32
      %lt3A_108 = arith.cmpi slt, %sub3A_105, %lt3A : i32
      %convert_element_type3A_109 = arith.extui %lt3A_108 : i1 to i32
      %cond3A_110 = arith.constant 0 : i32
      %cond3A_111 = arith.cmpi ne, %convert_element_type3A_109, %cond3A_110 : i32
      scf.if %cond3A_111 {
        %mul3A_332 = arith.constant 256 : i32
        %mul3A_333 = arith.muli %sub3A_105, %mul3A_332 : i32
        %dma_start3A_334 = arith.constant 4 : i32
        %dma_start3A_335 = arith.constant 0 : i32
        %dma_start3A_336 = arith.constant 0 : i32
        %dma_start3A_337 = tpu.memref_slice %arg6[%dma_start3A_334, %dma_start3A_335, %dma_start3A_336] : memref<6x256x64xf32, #tpu.memory_space<vmem>> -> memref<1x256x64xf32, #tpu.memory_space<vmem>>
        %dma_start3A_338 = tpu.memref_squeeze %dma_start3A_337 : memref<1x256x64xf32, #tpu.memory_space<vmem>> -> memref<256x64xf32, #tpu.memory_space<vmem>>
        %dma_start3A_339 = tpu.memref_slice %arg5[%mul3A_333] : memref<4608xi32, #tpu.memory_space<vmem>> -> memref<256xi32, #tpu.memory_space<vmem>>
        %dma_start3A_340 = arith.constant 0 : i32
        %dma_start3A_341 = arith.constant 0 : i32
        %dma_start3A_342 = tpu.memref_slice %arg2[%dma_start3A_340, %dma_start3A_341] : memref<100000x64xf32, #tpu.memory_space<hbm>> -> memref<100000x64xf32, #tpu.memory_space<hbm>>
        tpu.enqueue_indirect_dma source(%dma_start3A_342 : memref<100000x64xf32, #tpu.memory_space<hbm>>) target(%dma_start3A_338 : memref<256x64xf32, #tpu.memory_space<vmem>>) offsets(%dma_start3A_339 : memref<256xi32, #tpu.memory_space<vmem>>) semaphore(%arg11 : memref<!tpu.dma_semaphore, #tpu.memory_space<semaphore_mem>>)
      } else {
      }
      %mul3A_112 = arith.constant 6 : i32
      %mul3A_113 = arith.muli %scan3A_72, %mul3A_112 : i32
      %add3A_114 = arith.constant 1 : i32
      %add3A_115 = arith.addi %mul3A_113, %add3A_114 : i32
      %dma_wait3A_116 = arith.constant 1 : i32
      %dma_wait3A_117 = arith.constant 0 : i32
      %dma_wait3A_118 = arith.constant 0 : i32
      %dma_wait3A_119 = tpu.memref_slice %arg6[%dma_wait3A_116, %dma_wait3A_117, %dma_wait3A_118] : memref<6x256x64xf32, #tpu.memory_space<vmem>> -> memref<1x256x64xf32, #tpu.memory_space<vmem>>
      %dma_wait3A_120 = tpu.memref_squeeze %dma_wait3A_119 : memref<1x256x64xf32, #tpu.memory_space<vmem>> -> memref<256x64xf32, #tpu.memory_space<vmem>>
      %dma_wait3A_121 = arith.constant 0 : i32
      %dma_wait3A_122 = tpu.memref_slice %arg5[%dma_wait3A_121] : memref<4608xi32, #tpu.memory_space<vmem>> -> memref<256xi32, #tpu.memory_space<vmem>>
      %dma_wait3A_123 = arith.constant 0 : i32
      %dma_wait3A_124 = arith.constant 0 : i32
      %dma_wait3A_125 = tpu.memref_slice %arg2[%dma_wait3A_123, %dma_wait3A_124] : memref<100000x64xf32, #tpu.memory_space<hbm>> -> memref<100000x64xf32, #tpu.memory_space<hbm>>
      tpu.wait_indirect_dma semaphore(%arg8 : memref<!tpu.dma_semaphore, #tpu.memory_space<semaphore_mem>>) src(%dma_wait3A_125 : memref<100000x64xf32, #tpu.memory_space<hbm>>) dst(%dma_wait3A_120 : memref<256x64xf32, #tpu.memory_space<vmem>>)
      %mul3A_126 = arith.constant 256 : i32
      %mul3A_127 = arith.muli %add3A_115, %mul3A_126 : i32
      %add3A_128 = arith.addi %mul3A_2, %mul3A_127 : i32
      %dma_start3A_129 = arith.constant 1 : i32
      %dma_start3A_130 = arith.constant 0 : i32
      %dma_start3A_131 = arith.constant 0 : i32
      %dma_start3A_132 = tpu.memref_slice %arg6[%dma_start3A_129, %dma_start3A_130, %dma_start3A_131] : memref<6x256x64xf32, #tpu.memory_space<vmem>> -> memref<1x256x64xf32, #tpu.memory_space<vmem>>
      %dma_start3A_133 = tpu.memref_squeeze %dma_start3A_132 : memref<1x256x64xf32, #tpu.memory_space<vmem>> -> memref<256x64xf32, #tpu.memory_space<vmem>>
      %dma_start3A_134 = arith.constant 0 : i32
      %dma_start3A_135 = tpu.memref_slice %arg4[%add3A_128, %dma_start3A_134] : memref<147456x64xf32, #tpu.memory_space<hbm>> -> memref<256x64xf32, #tpu.memory_space<hbm>>
      %dma_start3A_136 = arith.constant 0 : i32
      %dma_start3A_137 = tpu.memref_slice %arg4[%add3A_128, %dma_start3A_136] : memref<147456x64xf32, #tpu.memory_space<hbm>> -> memref<256x64xf32, #tpu.memory_space<hbm>>
      %dma_start3A_138 = arith.constant 0 : i32
      %dma_start3A_139 = arith.constant 0 : i32
      %dma_start3A_140 = tpu.memref_slice %arg6[%dma_start3A_129, %dma_start3A_138, %dma_start3A_139] : memref<6x256x64xf32, #tpu.memory_space<vmem>> -> memref<1x256x64xf32, #tpu.memory_space<vmem>>
      %dma_start3A_141 = tpu.memref_squeeze %dma_start3A_140 : memref<1x256x64xf32, #tpu.memory_space<vmem>> -> memref<256x64xf32, #tpu.memory_space<vmem>>
      tpu.enqueue_dma source(%dma_start3A_141 : memref<256x64xf32, #tpu.memory_space<vmem>>) target(%dma_start3A_137 : memref<256x64xf32, #tpu.memory_space<hbm>>) target_semaphore(%arg14 : memref<!tpu.dma_semaphore, #tpu.memory_space<semaphore_mem>>)
      %add3A_142 = arith.constant 6 : i32
      %add3A_143 = arith.addi %add3A_115, %add3A_142 : i32
      %sub3A_144 = arith.constant 2 : i32
      %sub3A_145 = arith.subi %add3A_143, %sub3A_144 : i32
      %ge3A_146 = arith.constant 2 : i32
      %ge3A_147 = arith.cmpi sge, %add3A_115, %ge3A_146 : i32
      %convert_element_type3A_148 = arith.extui %ge3A_147 : i1 to i32
      %cond3A_149 = arith.constant 0 : i32
      %cond3A_150 = arith.cmpi ne, %convert_element_type3A_148, %cond3A_149 : i32
      scf.if %cond3A_150 {
        %dma_wait3A_332 = arith.constant 5 : i32
        %dma_wait3A_333 = arith.constant 0 : i32
        %dma_wait3A_334 = arith.constant 0 : i32
        %dma_wait3A_335 = tpu.memref_slice %arg6[%dma_wait3A_332, %dma_wait3A_333, %dma_wait3A_334] : memref<6x256x64xf32, #tpu.memory_space<vmem>> -> memref<1x256x64xf32, #tpu.memory_space<vmem>>
        %dma_wait3A_336 = tpu.memref_squeeze %dma_wait3A_335 : memref<1x256x64xf32, #tpu.memory_space<vmem>> -> memref<256x64xf32, #tpu.memory_space<vmem>>
        %dma_wait3A_337 = arith.constant 0 : i32
        %dma_wait3A_338 = tpu.memref_slice %arg4[%mul3A_2, %dma_wait3A_337] : memref<147456x64xf32, #tpu.memory_space<hbm>> -> memref<256x64xf32, #tpu.memory_space<hbm>>
        %dma_wait3A_339 = arith.constant 0 : i32
        %dma_wait3A_340 = tpu.memref_slice %arg4[%mul3A_2, %dma_wait3A_339] : memref<147456x64xf32, #tpu.memory_space<hbm>> -> memref<256x64xf32, #tpu.memory_space<hbm>>
        %dma_wait3A_341 = arith.constant 0 : i32
        %dma_wait3A_342 = arith.constant 0 : i32
        %dma_wait3A_343 = tpu.memref_slice %arg6[%dma_wait3A_332, %dma_wait3A_341, %dma_wait3A_342] : memref<6x256x64xf32, #tpu.memory_space<vmem>> -> memref<1x256x64xf32, #tpu.memory_space<vmem>>
        %dma_wait3A_344 = tpu.memref_squeeze %dma_wait3A_343 : memref<1x256x64xf32, #tpu.memory_space<vmem>> -> memref<256x64xf32, #tpu.memory_space<vmem>>
        tpu.wait_dma2 semaphore(%arg18 : memref<!tpu.dma_semaphore, #tpu.memory_space<semaphore_mem>>) src(%dma_wait3A_344 : memref<256x64xf32, #tpu.memory_space<vmem>>) dst(%dma_wait3A_340 : memref<256x64xf32, #tpu.memory_space<hbm>>)
      } else {
      }
      %lt3A_151 = arith.constant 18 : i32
      %lt3A_152 = arith.cmpi slt, %sub3A_145, %lt3A_151 : i32
      %convert_element_type3A_153 = arith.extui %lt3A_152 : i1 to i32
      %cond3A_154 = arith.constant 0 : i32
      %cond3A_155 = arith.cmpi ne, %convert_element_type3A_153, %cond3A_154 : i32
      scf.if %cond3A_155 {
        %mul3A_332 = arith.constant 256 : i32
        %mul3A_333 = arith.muli %sub3A_145, %mul3A_332 : i32
        %dma_start3A_334 = arith.constant 5 : i32
        %dma_start3A_335 = arith.constant 0 : i32
        %dma_start3A_336 = arith.constant 0 : i32
        %dma_start3A_337 = tpu.memref_slice %arg6[%dma_start3A_334, %dma_start3A_335, %dma_start3A_336] : memref<6x256x64xf32, #tpu.memory_space<vmem>> -> memref<1x256x64xf32, #tpu.memory_space<vmem>>
        %dma_start3A_338 = tpu.memref_squeeze %dma_start3A_337 : memref<1x256x64xf32, #tpu.memory_space<vmem>> -> memref<256x64xf32, #tpu.memory_space<vmem>>
        %dma_start3A_339 = tpu.memref_slice %arg5[%mul3A_333] : memref<4608xi32, #tpu.memory_space<vmem>> -> memref<256xi32, #tpu.memory_space<vmem>>
        %dma_start3A_340 = arith.constant 0 : i32
        %dma_start3A_341 = arith.constant 0 : i32
        %dma_start3A_342 = tpu.memref_slice %arg2[%dma_start3A_340, %dma_start3A_341] : memref<100000x64xf32, #tpu.memory_space<hbm>> -> memref<100000x64xf32, #tpu.memory_space<hbm>>
        tpu.enqueue_indirect_dma source(%dma_start3A_342 : memref<100000x64xf32, #tpu.memory_space<hbm>>) target(%dma_start3A_338 : memref<256x64xf32, #tpu.memory_space<vmem>>) offsets(%dma_start3A_339 : memref<256xi32, #tpu.memory_space<vmem>>) semaphore(%arg12 : memref<!tpu.dma_semaphore, #tpu.memory_space<semaphore_mem>>)
      } else {
      }
      %mul3A_156 = arith.constant 6 : i32
      %mul3A_157 = arith.muli %scan3A_72, %mul3A_156 : i32
      %add3A_158 = arith.constant 2 : i32
      %add3A_159 = arith.addi %mul3A_157, %add3A_158 : i32
      %dma_wait3A_160 = arith.constant 2 : i32
      %dma_wait3A_161 = arith.constant 0 : i32
      %dma_wait3A_162 = arith.constant 0 : i32
      %dma_wait3A_163 = tpu.memref_slice %arg6[%dma_wait3A_160, %dma_wait3A_161, %dma_wait3A_162] : memref<6x256x64xf32, #tpu.memory_space<vmem>> -> memref<1x256x64xf32, #tpu.memory_space<vmem>>
      %dma_wait3A_164 = tpu.memref_squeeze %dma_wait3A_163 : memref<1x256x64xf32, #tpu.memory_space<vmem>> -> memref<256x64xf32, #tpu.memory_space<vmem>>
      %dma_wait3A_165 = arith.constant 0 : i32
      %dma_wait3A_166 = tpu.memref_slice %arg5[%dma_wait3A_165] : memref<4608xi32, #tpu.memory_space<vmem>> -> memref<256xi32, #tpu.memory_space<vmem>>
      %dma_wait3A_167 = arith.constant 0 : i32
      %dma_wait3A_168 = arith.constant 0 : i32
      %dma_wait3A_169 = tpu.memref_slice %arg2[%dma_wait3A_167, %dma_wait3A_168] : memref<100000x64xf32, #tpu.memory_space<hbm>> -> memref<100000x64xf32, #tpu.memory_space<hbm>>
      tpu.wait_indirect_dma semaphore(%arg9 : memref<!tpu.dma_semaphore, #tpu.memory_space<semaphore_mem>>) src(%dma_wait3A_169 : memref<100000x64xf32, #tpu.memory_space<hbm>>) dst(%dma_wait3A_164 : memref<256x64xf32, #tpu.memory_space<vmem>>)
      %mul3A_170 = arith.constant 256 : i32
      %mul3A_171 = arith.muli %add3A_159, %mul3A_170 : i32
      %add3A_172 = arith.addi %mul3A_2, %mul3A_171 : i32
      %dma_start3A_173 = arith.constant 2 : i32
      %dma_start3A_174 = arith.constant 0 : i32
      %dma_start3A_175 = arith.constant 0 : i32
      %dma_start3A_176 = tpu.memref_slice %arg6[%dma_start3A_173, %dma_start3A_174, %dma_start3A_175] : memref<6x256x64xf32, #tpu.memory_space<vmem>> -> memref<1x256x64xf32, #tpu.memory_space<vmem>>
      %dma_start3A_177 = tpu.memref_squeeze %dma_start3A_176 : memref<1x256x64xf32, #tpu.memory_space<vmem>> -> memref<256x64xf32, #tpu.memory_space<vmem>>
      %dma_start3A_178 = arith.constant 0 : i32
      %dma_start3A_179 = tpu.memref_slice %arg4[%add3A_172, %dma_start3A_178] : memref<147456x64xf32, #tpu.memory_space<hbm>> -> memref<256x64xf32, #tpu.memory_space<hbm>>
      %dma_start3A_180 = arith.constant 0 : i32
      %dma_start3A_181 = tpu.memref_slice %arg4[%add3A_172, %dma_start3A_180] : memref<147456x64xf32, #tpu.memory_space<hbm>> -> memref<256x64xf32, #tpu.memory_space<hbm>>
      %dma_start3A_182 = arith.constant 0 : i32
      %dma_start3A_183 = arith.constant 0 : i32
      %dma_start3A_184 = tpu.memref_slice %arg6[%dma_start3A_173, %dma_start3A_182, %dma_start3A_183] : memref<6x256x64xf32, #tpu.memory_space<vmem>> -> memref<1x256x64xf32, #tpu.memory_space<vmem>>
      %dma_start3A_185 = tpu.memref_squeeze %dma_start3A_184 : memref<1x256x64xf32, #tpu.memory_space<vmem>> -> memref<256x64xf32, #tpu.memory_space<vmem>>
      tpu.enqueue_dma source(%dma_start3A_185 : memref<256x64xf32, #tpu.memory_space<vmem>>) target(%dma_start3A_181 : memref<256x64xf32, #tpu.memory_space<hbm>>) target_semaphore(%arg15 : memref<!tpu.dma_semaphore, #tpu.memory_space<semaphore_mem>>)
      %add3A_186 = arith.constant 6 : i32
      %add3A_187 = arith.addi %add3A_159, %add3A_186 : i32
      %sub3A_188 = arith.constant 2 : i32
      %sub3A_189 = arith.subi %add3A_187, %sub3A_188 : i32
      %ge3A_190 = arith.constant 2 : i32
      %ge3A_191 = arith.cmpi sge, %add3A_159, %ge3A_190 : i32
      %convert_element_type3A_192 = arith.extui %ge3A_191 : i1 to i32
      %cond3A_193 = arith.constant 0 : i32
      %cond3A_194 = arith.cmpi ne, %convert_element_type3A_192, %cond3A_193 : i32
      scf.if %cond3A_194 {
        %dma_wait3A_332 = arith.constant 0 : i32
        %dma_wait3A_333 = arith.constant 0 : i32
        %dma_wait3A_334 = arith.constant 0 : i32
        %dma_wait3A_335 = tpu.memref_slice %arg6[%dma_wait3A_332, %dma_wait3A_333, %dma_wait3A_334] : memref<6x256x64xf32, #tpu.memory_space<vmem>> -> memref<1x256x64xf32, #tpu.memory_space<vmem>>
        %dma_wait3A_336 = tpu.memref_squeeze %dma_wait3A_335 : memref<1x256x64xf32, #tpu.memory_space<vmem>> -> memref<256x64xf32, #tpu.memory_space<vmem>>
        %dma_wait3A_337 = arith.constant 0 : i32
        %dma_wait3A_338 = tpu.memref_slice %arg4[%mul3A_2, %dma_wait3A_337] : memref<147456x64xf32, #tpu.memory_space<hbm>> -> memref<256x64xf32, #tpu.memory_space<hbm>>
        %dma_wait3A_339 = arith.constant 0 : i32
        %dma_wait3A_340 = tpu.memref_slice %arg4[%mul3A_2, %dma_wait3A_339] : memref<147456x64xf32, #tpu.memory_space<hbm>> -> memref<256x64xf32, #tpu.memory_space<hbm>>
        %dma_wait3A_341 = arith.constant 0 : i32
        %dma_wait3A_342 = arith.constant 0 : i32
        %dma_wait3A_343 = tpu.memref_slice %arg6[%dma_wait3A_332, %dma_wait3A_341, %dma_wait3A_342] : memref<6x256x64xf32, #tpu.memory_space<vmem>> -> memref<1x256x64xf32, #tpu.memory_space<vmem>>
        %dma_wait3A_344 = tpu.memref_squeeze %dma_wait3A_343 : memref<1x256x64xf32, #tpu.memory_space<vmem>> -> memref<256x64xf32, #tpu.memory_space<vmem>>
        tpu.wait_dma2 semaphore(%arg13 : memref<!tpu.dma_semaphore, #tpu.memory_space<semaphore_mem>>) src(%dma_wait3A_344 : memref<256x64xf32, #tpu.memory_space<vmem>>) dst(%dma_wait3A_340 : memref<256x64xf32, #tpu.memory_space<hbm>>)
      } else {
      }
      %lt3A_195 = arith.constant 18 : i32
      %lt3A_196 = arith.cmpi slt, %sub3A_189, %lt3A_195 : i32
      %convert_element_type3A_197 = arith.extui %lt3A_196 : i1 to i32
      %cond3A_198 = arith.constant 0 : i32
      %cond3A_199 = arith.cmpi ne, %convert_element_type3A_197, %cond3A_198 : i32
      scf.if %cond3A_199 {
        %mul3A_332 = arith.constant 256 : i32
        %mul3A_333 = arith.muli %sub3A_189, %mul3A_332 : i32
        %dma_start3A_334 = arith.constant 0 : i32
        %dma_start3A_335 = arith.constant 0 : i32
        %dma_start3A_336 = arith.constant 0 : i32
        %dma_start3A_337 = tpu.memref_slice %arg6[%dma_start3A_334, %dma_start3A_335, %dma_start3A_336] : memref<6x256x64xf32, #tpu.memory_space<vmem>> -> memref<1x256x64xf32, #tpu.memory_space<vmem>>
        %dma_start3A_338 = tpu.memref_squeeze %dma_start3A_337 : memref<1x256x64xf32, #tpu.memory_space<vmem>> -> memref<256x64xf32, #tpu.memory_space<vmem>>
        %dma_start3A_339 = tpu.memref_slice %arg5[%mul3A_333] : memref<4608xi32, #tpu.memory_space<vmem>> -> memref<256xi32, #tpu.memory_space<vmem>>
        %dma_start3A_340 = arith.constant 0 : i32
        %dma_start3A_341 = arith.constant 0 : i32
        %dma_start3A_342 = tpu.memref_slice %arg2[%dma_start3A_340, %dma_start3A_341] : memref<100000x64xf32, #tpu.memory_space<hbm>> -> memref<100000x64xf32, #tpu.memory_space<hbm>>
        tpu.enqueue_indirect_dma source(%dma_start3A_342 : memref<100000x64xf32, #tpu.memory_space<hbm>>) target(%dma_start3A_338 : memref<256x64xf32, #tpu.memory_space<vmem>>) offsets(%dma_start3A_339 : memref<256xi32, #tpu.memory_space<vmem>>) semaphore(%arg7 : memref<!tpu.dma_semaphore, #tpu.memory_space<semaphore_mem>>)
      } else {
      }
      %mul3A_200 = arith.constant 6 : i32
      %mul3A_201 = arith.muli %scan3A_72, %mul3A_200 : i32
      %add3A_202 = arith.constant 3 : i32
      %add3A_203 = arith.addi %mul3A_201, %add3A_202 : i32
      %dma_wait3A_204 = arith.constant 3 : i32
      %dma_wait3A_205 = arith.constant 0 : i32
      %dma_wait3A_206 = arith.constant 0 : i32
      %dma_wait3A_207 = tpu.memref_slice %arg6[%dma_wait3A_204, %dma_wait3A_205, %dma_wait3A_206] : memref<6x256x64xf32, #tpu.memory_space<vmem>> -> memref<1x256x64xf32, #tpu.memory_space<vmem>>
      %dma_wait3A_208 = tpu.memref_squeeze %dma_wait3A_207 : memref<1x256x64xf32, #tpu.memory_space<vmem>> -> memref<256x64xf32, #tpu.memory_space<vmem>>
      %dma_wait3A_209 = arith.constant 0 : i32
      %dma_wait3A_210 = tpu.memref_slice %arg5[%dma_wait3A_209] : memref<4608xi32, #tpu.memory_space<vmem>> -> memref<256xi32, #tpu.memory_space<vmem>>
      %dma_wait3A_211 = arith.constant 0 : i32
      %dma_wait3A_212 = arith.constant 0 : i32
      %dma_wait3A_213 = tpu.memref_slice %arg2[%dma_wait3A_211, %dma_wait3A_212] : memref<100000x64xf32, #tpu.memory_space<hbm>> -> memref<100000x64xf32, #tpu.memory_space<hbm>>
      tpu.wait_indirect_dma semaphore(%arg10 : memref<!tpu.dma_semaphore, #tpu.memory_space<semaphore_mem>>) src(%dma_wait3A_213 : memref<100000x64xf32, #tpu.memory_space<hbm>>) dst(%dma_wait3A_208 : memref<256x64xf32, #tpu.memory_space<vmem>>)
      %mul3A_214 = arith.constant 256 : i32
      %mul3A_215 = arith.muli %add3A_203, %mul3A_214 : i32
      %add3A_216 = arith.addi %mul3A_2, %mul3A_215 : i32
      %dma_start3A_217 = arith.constant 3 : i32
      %dma_start3A_218 = arith.constant 0 : i32
      %dma_start3A_219 = arith.constant 0 : i32
      %dma_start3A_220 = tpu.memref_slice %arg6[%dma_start3A_217, %dma_start3A_218, %dma_start3A_219] : memref<6x256x64xf32, #tpu.memory_space<vmem>> -> memref<1x256x64xf32, #tpu.memory_space<vmem>>
      %dma_start3A_221 = tpu.memref_squeeze %dma_start3A_220 : memref<1x256x64xf32, #tpu.memory_space<vmem>> -> memref<256x64xf32, #tpu.memory_space<vmem>>
      %dma_start3A_222 = arith.constant 0 : i32
      %dma_start3A_223 = tpu.memref_slice %arg4[%add3A_216, %dma_start3A_222] : memref<147456x64xf32, #tpu.memory_space<hbm>> -> memref<256x64xf32, #tpu.memory_space<hbm>>
      %dma_start3A_224 = arith.constant 0 : i32
      %dma_start3A_225 = tpu.memref_slice %arg4[%add3A_216, %dma_start3A_224] : memref<147456x64xf32, #tpu.memory_space<hbm>> -> memref<256x64xf32, #tpu.memory_space<hbm>>
      %dma_start3A_226 = arith.constant 0 : i32
      %dma_start3A_227 = arith.constant 0 : i32
      %dma_start3A_228 = tpu.memref_slice %arg6[%dma_start3A_217, %dma_start3A_226, %dma_start3A_227] : memref<6x256x64xf32, #tpu.memory_space<vmem>> -> memref<1x256x64xf32, #tpu.memory_space<vmem>>
      %dma_start3A_229 = tpu.memref_squeeze %dma_start3A_228 : memref<1x256x64xf32, #tpu.memory_space<vmem>> -> memref<256x64xf32, #tpu.memory_space<vmem>>
      tpu.enqueue_dma source(%dma_start3A_229 : memref<256x64xf32, #tpu.memory_space<vmem>>) target(%dma_start3A_225 : memref<256x64xf32, #tpu.memory_space<hbm>>) target_semaphore(%arg16 : memref<!tpu.dma_semaphore, #tpu.memory_space<semaphore_mem>>)
      %add3A_230 = arith.constant 6 : i32
      %add3A_231 = arith.addi %add3A_203, %add3A_230 : i32
      %sub3A_232 = arith.constant 2 : i32
      %sub3A_233 = arith.subi %add3A_231, %sub3A_232 : i32
      %ge3A_234 = arith.constant 2 : i32
      %ge3A_235 = arith.cmpi sge, %add3A_203, %ge3A_234 : i32
      %convert_element_type3A_236 = arith.extui %ge3A_235 : i1 to i32
      %cond3A_237 = arith.constant 0 : i32
      %cond3A_238 = arith.cmpi ne, %convert_element_type3A_236, %cond3A_237 : i32
      scf.if %cond3A_238 {
        %dma_wait3A_332 = arith.constant 1 : i32
        %dma_wait3A_333 = arith.constant 0 : i32
        %dma_wait3A_334 = arith.constant 0 : i32
        %dma_wait3A_335 = tpu.memref_slice %arg6[%dma_wait3A_332, %dma_wait3A_333, %dma_wait3A_334] : memref<6x256x64xf32, #tpu.memory_space<vmem>> -> memref<1x256x64xf32, #tpu.memory_space<vmem>>
        %dma_wait3A_336 = tpu.memref_squeeze %dma_wait3A_335 : memref<1x256x64xf32, #tpu.memory_space<vmem>> -> memref<256x64xf32, #tpu.memory_space<vmem>>
        %dma_wait3A_337 = arith.constant 0 : i32
        %dma_wait3A_338 = tpu.memref_slice %arg4[%mul3A_2, %dma_wait3A_337] : memref<147456x64xf32, #tpu.memory_space<hbm>> -> memref<256x64xf32, #tpu.memory_space<hbm>>
        %dma_wait3A_339 = arith.constant 0 : i32
        %dma_wait3A_340 = tpu.memref_slice %arg4[%mul3A_2, %dma_wait3A_339] : memref<147456x64xf32, #tpu.memory_space<hbm>> -> memref<256x64xf32, #tpu.memory_space<hbm>>
        %dma_wait3A_341 = arith.constant 0 : i32
        %dma_wait3A_342 = arith.constant 0 : i32
        %dma_wait3A_343 = tpu.memref_slice %arg6[%dma_wait3A_332, %dma_wait3A_341, %dma_wait3A_342] : memref<6x256x64xf32, #tpu.memory_space<vmem>> -> memref<1x256x64xf32, #tpu.memory_space<vmem>>
        %dma_wait3A_344 = tpu.memref_squeeze %dma_wait3A_343 : memref<1x256x64xf32, #tpu.memory_space<vmem>> -> memref<256x64xf32, #tpu.memory_space<vmem>>
        tpu.wait_dma2 semaphore(%arg14 : memref<!tpu.dma_semaphore, #tpu.memory_space<semaphore_mem>>) src(%dma_wait3A_344 : memref<256x64xf32, #tpu.memory_space<vmem>>) dst(%dma_wait3A_340 : memref<256x64xf32, #tpu.memory_space<hbm>>)
      } else {
      }
      %lt3A_239 = arith.constant 18 : i32
      %lt3A_240 = arith.cmpi slt, %sub3A_233, %lt3A_239 : i32
      %convert_element_type3A_241 = arith.extui %lt3A_240 : i1 to i32
      %cond3A_242 = arith.constant 0 : i32
      %cond3A_243 = arith.cmpi ne, %convert_element_type3A_241, %cond3A_242 : i32
      scf.if %cond3A_243 {
        %mul3A_332 = arith.constant 256 : i32
        %mul3A_333 = arith.muli %sub3A_233, %mul3A_332 : i32
        %dma_start3A_334 = arith.constant 1 : i32
        %dma_start3A_335 = arith.constant 0 : i32
        %dma_start3A_336 = arith.constant 0 : i32
        %dma_start3A_337 = tpu.memref_slice %arg6[%dma_start3A_334, %dma_start3A_335, %dma_start3A_336] : memref<6x256x64xf32, #tpu.memory_space<vmem>> -> memref<1x256x64xf32, #tpu.memory_space<vmem>>
        %dma_start3A_338 = tpu.memref_squeeze %dma_start3A_337 : memref<1x256x64xf32, #tpu.memory_space<vmem>> -> memref<256x64xf32, #tpu.memory_space<vmem>>
        %dma_start3A_339 = tpu.memref_slice %arg5[%mul3A_333] : memref<4608xi32, #tpu.memory_space<vmem>> -> memref<256xi32, #tpu.memory_space<vmem>>
        %dma_start3A_340 = arith.constant 0 : i32
        %dma_start3A_341 = arith.constant 0 : i32
        %dma_start3A_342 = tpu.memref_slice %arg2[%dma_start3A_340, %dma_start3A_341] : memref<100000x64xf32, #tpu.memory_space<hbm>> -> memref<100000x64xf32, #tpu.memory_space<hbm>>
        tpu.enqueue_indirect_dma source(%dma_start3A_342 : memref<100000x64xf32, #tpu.memory_space<hbm>>) target(%dma_start3A_338 : memref<256x64xf32, #tpu.memory_space<vmem>>) offsets(%dma_start3A_339 : memref<256xi32, #tpu.memory_space<vmem>>) semaphore(%arg8 : memref<!tpu.dma_semaphore, #tpu.memory_space<semaphore_mem>>)
      } else {
      }
      %mul3A_244 = arith.constant 6 : i32
      %mul3A_245 = arith.muli %scan3A_72, %mul3A_244 : i32
      %add3A_246 = arith.constant 4 : i32
      %add3A_247 = arith.addi %mul3A_245, %add3A_246 : i32
      %dma_wait3A_248 = arith.constant 4 : i32
      %dma_wait3A_249 = arith.constant 0 : i32
      %dma_wait3A_250 = arith.constant 0 : i32
      %dma_wait3A_251 = tpu.memref_slice %arg6[%dma_wait3A_248, %dma_wait3A_249, %dma_wait3A_250] : memref<6x256x64xf32, #tpu.memory_space<vmem>> -> memref<1x256x64xf32, #tpu.memory_space<vmem>>
      %dma_wait3A_252 = tpu.memref_squeeze %dma_wait3A_251 : memref<1x256x64xf32, #tpu.memory_space<vmem>> -> memref<256x64xf32, #tpu.memory_space<vmem>>
      %dma_wait3A_253 = arith.constant 0 : i32
      %dma_wait3A_254 = tpu.memref_slice %arg5[%dma_wait3A_253] : memref<4608xi32, #tpu.memory_space<vmem>> -> memref<256xi32, #tpu.memory_space<vmem>>
      %dma_wait3A_255 = arith.constant 0 : i32
      %dma_wait3A_256 = arith.constant 0 : i32
      %dma_wait3A_257 = tpu.memref_slice %arg2[%dma_wait3A_255, %dma_wait3A_256] : memref<100000x64xf32, #tpu.memory_space<hbm>> -> memref<100000x64xf32, #tpu.memory_space<hbm>>
      tpu.wait_indirect_dma semaphore(%arg11 : memref<!tpu.dma_semaphore, #tpu.memory_space<semaphore_mem>>) src(%dma_wait3A_257 : memref<100000x64xf32, #tpu.memory_space<hbm>>) dst(%dma_wait3A_252 : memref<256x64xf32, #tpu.memory_space<vmem>>)
      %mul3A_258 = arith.constant 256 : i32
      %mul3A_259 = arith.muli %add3A_247, %mul3A_258 : i32
      %add3A_260 = arith.addi %mul3A_2, %mul3A_259 : i32
      %dma_start3A_261 = arith.constant 4 : i32
      %dma_start3A_262 = arith.constant 0 : i32
      %dma_start3A_263 = arith.constant 0 : i32
      %dma_start3A_264 = tpu.memref_slice %arg6[%dma_start3A_261, %dma_start3A_262, %dma_start3A_263] : memref<6x256x64xf32, #tpu.memory_space<vmem>> -> memref<1x256x64xf32, #tpu.memory_space<vmem>>
      %dma_start3A_265 = tpu.memref_squeeze %dma_start3A_264 : memref<1x256x64xf32, #tpu.memory_space<vmem>> -> memref<256x64xf32, #tpu.memory_space<vmem>>
      %dma_start3A_266 = arith.constant 0 : i32
      %dma_start3A_267 = tpu.memref_slice %arg4[%add3A_260, %dma_start3A_266] : memref<147456x64xf32, #tpu.memory_space<hbm>> -> memref<256x64xf32, #tpu.memory_space<hbm>>
      %dma_start3A_268 = arith.constant 0 : i32
      %dma_start3A_269 = tpu.memref_slice %arg4[%add3A_260, %dma_start3A_268] : memref<147456x64xf32, #tpu.memory_space<hbm>> -> memref<256x64xf32, #tpu.memory_space<hbm>>
      %dma_start3A_270 = arith.constant 0 : i32
      %dma_start3A_271 = arith.constant 0 : i32
      %dma_start3A_272 = tpu.memref_slice %arg6[%dma_start3A_261, %dma_start3A_270, %dma_start3A_271] : memref<6x256x64xf32, #tpu.memory_space<vmem>> -> memref<1x256x64xf32, #tpu.memory_space<vmem>>
      %dma_start3A_273 = tpu.memref_squeeze %dma_start3A_272 : memref<1x256x64xf32, #tpu.memory_space<vmem>> -> memref<256x64xf32, #tpu.memory_space<vmem>>
      tpu.enqueue_dma source(%dma_start3A_273 : memref<256x64xf32, #tpu.memory_space<vmem>>) target(%dma_start3A_269 : memref<256x64xf32, #tpu.memory_space<hbm>>) target_semaphore(%arg17 : memref<!tpu.dma_semaphore, #tpu.memory_space<semaphore_mem>>)
      %add3A_274 = arith.constant 6 : i32
      %add3A_275 = arith.addi %add3A_247, %add3A_274 : i32
      %sub3A_276 = arith.constant 2 : i32
      %sub3A_277 = arith.subi %add3A_275, %sub3A_276 : i32
      %ge3A_278 = arith.constant 2 : i32
      %ge3A_279 = arith.cmpi sge, %add3A_247, %ge3A_278 : i32
      %convert_element_type3A_280 = arith.extui %ge3A_279 : i1 to i32
      %cond3A_281 = arith.constant 0 : i32
      %cond3A_282 = arith.cmpi ne, %convert_element_type3A_280, %cond3A_281 : i32
      scf.if %cond3A_282 {
        %dma_wait3A_332 = arith.constant 2 : i32
        %dma_wait3A_333 = arith.constant 0 : i32
        %dma_wait3A_334 = arith.constant 0 : i32
        %dma_wait3A_335 = tpu.memref_slice %arg6[%dma_wait3A_332, %dma_wait3A_333, %dma_wait3A_334] : memref<6x256x64xf32, #tpu.memory_space<vmem>> -> memref<1x256x64xf32, #tpu.memory_space<vmem>>
        %dma_wait3A_336 = tpu.memref_squeeze %dma_wait3A_335 : memref<1x256x64xf32, #tpu.memory_space<vmem>> -> memref<256x64xf32, #tpu.memory_space<vmem>>
        %dma_wait3A_337 = arith.constant 0 : i32
        %dma_wait3A_338 = tpu.memref_slice %arg4[%mul3A_2, %dma_wait3A_337] : memref<147456x64xf32, #tpu.memory_space<hbm>> -> memref<256x64xf32, #tpu.memory_space<hbm>>
        %dma_wait3A_339 = arith.constant 0 : i32
        %dma_wait3A_340 = tpu.memref_slice %arg4[%mul3A_2, %dma_wait3A_339] : memref<147456x64xf32, #tpu.memory_space<hbm>> -> memref<256x64xf32, #tpu.memory_space<hbm>>
        %dma_wait3A_341 = arith.constant 0 : i32
        %dma_wait3A_342 = arith.constant 0 : i32
        %dma_wait3A_343 = tpu.memref_slice %arg6[%dma_wait3A_332, %dma_wait3A_341, %dma_wait3A_342] : memref<6x256x64xf32, #tpu.memory_space<vmem>> -> memref<1x256x64xf32, #tpu.memory_space<vmem>>
        %dma_wait3A_344 = tpu.memref_squeeze %dma_wait3A_343 : memref<1x256x64xf32, #tpu.memory_space<vmem>> -> memref<256x64xf32, #tpu.memory_space<vmem>>
        tpu.wait_dma2 semaphore(%arg15 : memref<!tpu.dma_semaphore, #tpu.memory_space<semaphore_mem>>) src(%dma_wait3A_344 : memref<256x64xf32, #tpu.memory_space<vmem>>) dst(%dma_wait3A_340 : memref<256x64xf32, #tpu.memory_space<hbm>>)
      } else {
      }
      %lt3A_283 = arith.constant 18 : i32
      %lt3A_284 = arith.cmpi slt, %sub3A_277, %lt3A_283 : i32
      %convert_element_type3A_285 = arith.extui %lt3A_284 : i1 to i32
      %cond3A_286 = arith.constant 0 : i32
      %cond3A_287 = arith.cmpi ne, %convert_element_type3A_285, %cond3A_286 : i32
      scf.if %cond3A_287 {
        %mul3A_332 = arith.constant 256 : i32
        %mul3A_333 = arith.muli %sub3A_277, %mul3A_332 : i32
        %dma_start3A_334 = arith.constant 2 : i32
        %dma_start3A_335 = arith.constant 0 : i32
        %dma_start3A_336 = arith.constant 0 : i32
        %dma_start3A_337 = tpu.memref_slice %arg6[%dma_start3A_334, %dma_start3A_335, %dma_start3A_336] : memref<6x256x64xf32, #tpu.memory_space<vmem>> -> memref<1x256x64xf32, #tpu.memory_space<vmem>>
        %dma_start3A_338 = tpu.memref_squeeze %dma_start3A_337 : memref<1x256x64xf32, #tpu.memory_space<vmem>> -> memref<256x64xf32, #tpu.memory_space<vmem>>
        %dma_start3A_339 = tpu.memref_slice %arg5[%mul3A_333] : memref<4608xi32, #tpu.memory_space<vmem>> -> memref<256xi32, #tpu.memory_space<vmem>>
        %dma_start3A_340 = arith.constant 0 : i32
        %dma_start3A_341 = arith.constant 0 : i32
        %dma_start3A_342 = tpu.memref_slice %arg2[%dma_start3A_340, %dma_start3A_341] : memref<100000x64xf32, #tpu.memory_space<hbm>> -> memref<100000x64xf32, #tpu.memory_space<hbm>>
        tpu.enqueue_indirect_dma source(%dma_start3A_342 : memref<100000x64xf32, #tpu.memory_space<hbm>>) target(%dma_start3A_338 : memref<256x64xf32, #tpu.memory_space<vmem>>) offsets(%dma_start3A_339 : memref<256xi32, #tpu.memory_space<vmem>>) semaphore(%arg9 : memref<!tpu.dma_semaphore, #tpu.memory_space<semaphore_mem>>)
      } else {
      }
      %mul3A_288 = arith.constant 6 : i32
      %mul3A_289 = arith.muli %scan3A_72, %mul3A_288 : i32
      %add3A_290 = arith.constant 5 : i32
      %add3A_291 = arith.addi %mul3A_289, %add3A_290 : i32
      %dma_wait3A_292 = arith.constant 5 : i32
      %dma_wait3A_293 = arith.constant 0 : i32
      %dma_wait3A_294 = arith.constant 0 : i32
      %dma_wait3A_295 = tpu.memref_slice %arg6[%dma_wait3A_292, %dma_wait3A_293, %dma_wait3A_294] : memref<6x256x64xf32, #tpu.memory_space<vmem>> -> memref<1x256x64xf32, #tpu.memory_space<vmem>>
      %dma_wait3A_296 = tpu.memref_squeeze %dma_wait3A_295 : memref<1x256x64xf32, #tpu.memory_space<vmem>> -> memref<256x64xf32, #tpu.memory_space<vmem>>
      %dma_wait3A_297 = arith.constant 0 : i32
      %dma_wait3A_298 = tpu.memref_slice %arg5[%dma_wait3A_297] : memref<4608xi32, #tpu.memory_space<vmem>> -> memref<256xi32, #tpu.memory_space<vmem>>
      %dma_wait3A_299 = arith.constant 0 : i32
      %dma_wait3A_300 = arith.constant 0 : i32
      %dma_wait3A_301 = tpu.memref_slice %arg2[%dma_wait3A_299, %dma_wait3A_300] : memref<100000x64xf32, #tpu.memory_space<hbm>> -> memref<100000x64xf32, #tpu.memory_space<hbm>>
      tpu.wait_indirect_dma semaphore(%arg12 : memref<!tpu.dma_semaphore, #tpu.memory_space<semaphore_mem>>) src(%dma_wait3A_301 : memref<100000x64xf32, #tpu.memory_space<hbm>>) dst(%dma_wait3A_296 : memref<256x64xf32, #tpu.memory_space<vmem>>)
      %mul3A_302 = arith.constant 256 : i32
      %mul3A_303 = arith.muli %add3A_291, %mul3A_302 : i32
      %add3A_304 = arith.addi %mul3A_2, %mul3A_303 : i32
      %dma_start3A_305 = arith.constant 5 : i32
      %dma_start3A_306 = arith.constant 0 : i32
      %dma_start3A_307 = arith.constant 0 : i32
      %dma_start3A_308 = tpu.memref_slice %arg6[%dma_start3A_305, %dma_start3A_306, %dma_start3A_307] : memref<6x256x64xf32, #tpu.memory_space<vmem>> -> memref<1x256x64xf32, #tpu.memory_space<vmem>>
      %dma_start3A_309 = tpu.memref_squeeze %dma_start3A_308 : memref<1x256x64xf32, #tpu.memory_space<vmem>> -> memref<256x64xf32, #tpu.memory_space<vmem>>
      %dma_start3A_310 = arith.constant 0 : i32
      %dma_start3A_311 = tpu.memref_slice %arg4[%add3A_304, %dma_start3A_310] : memref<147456x64xf32, #tpu.memory_space<hbm>> -> memref<256x64xf32, #tpu.memory_space<hbm>>
      %dma_start3A_312 = arith.constant 0 : i32
      %dma_start3A_313 = tpu.memref_slice %arg4[%add3A_304, %dma_start3A_312] : memref<147456x64xf32, #tpu.memory_space<hbm>> -> memref<256x64xf32, #tpu.memory_space<hbm>>
      %dma_start3A_314 = arith.constant 0 : i32
      %dma_start3A_315 = arith.constant 0 : i32
      %dma_start3A_316 = tpu.memref_slice %arg6[%dma_start3A_305, %dma_start3A_314, %dma_start3A_315] : memref<6x256x64xf32, #tpu.memory_space<vmem>> -> memref<1x256x64xf32, #tpu.memory_space<vmem>>
      %dma_start3A_317 = tpu.memref_squeeze %dma_start3A_316 : memref<1x256x64xf32, #tpu.memory_space<vmem>> -> memref<256x64xf32, #tpu.memory_space<vmem>>
      tpu.enqueue_dma source(%dma_start3A_317 : memref<256x64xf32, #tpu.memory_space<vmem>>) target(%dma_start3A_313 : memref<256x64xf32, #tpu.memory_space<hbm>>) target_semaphore(%arg18 : memref<!tpu.dma_semaphore, #tpu.memory_space<semaphore_mem>>)
      %add3A_318 = arith.constant 6 : i32
      %add3A_319 = arith.addi %add3A_291, %add3A_318 : i32
      %sub3A_320 = arith.constant 2 : i32
      %sub3A_321 = arith.subi %add3A_319, %sub3A_320 : i32
      %ge3A_322 = arith.constant 2 : i32
      %ge3A_323 = arith.cmpi sge, %add3A_291, %ge3A_322 : i32
      %convert_element_type3A_324 = arith.extui %ge3A_323 : i1 to i32
      %cond3A_325 = arith.constant 0 : i32
      %cond3A_326 = arith.cmpi ne, %convert_element_type3A_324, %cond3A_325 : i32
      scf.if %cond3A_326 {
        %dma_wait3A_332 = arith.constant 3 : i32
        %dma_wait3A_333 = arith.constant 0 : i32
        %dma_wait3A_334 = arith.constant 0 : i32
        %dma_wait3A_335 = tpu.memref_slice %arg6[%dma_wait3A_332, %dma_wait3A_333, %dma_wait3A_334] : memref<6x256x64xf32, #tpu.memory_space<vmem>> -> memref<1x256x64xf32, #tpu.memory_space<vmem>>
        %dma_wait3A_336 = tpu.memref_squeeze %dma_wait3A_335 : memref<1x256x64xf32, #tpu.memory_space<vmem>> -> memref<256x64xf32, #tpu.memory_space<vmem>>
        %dma_wait3A_337 = arith.constant 0 : i32
        %dma_wait3A_338 = tpu.memref_slice %arg4[%mul3A_2, %dma_wait3A_337] : memref<147456x64xf32, #tpu.memory_space<hbm>> -> memref<256x64xf32, #tpu.memory_space<hbm>>
        %dma_wait3A_339 = arith.constant 0 : i32
        %dma_wait3A_340 = tpu.memref_slice %arg4[%mul3A_2, %dma_wait3A_339] : memref<147456x64xf32, #tpu.memory_space<hbm>> -> memref<256x64xf32, #tpu.memory_space<hbm>>
        %dma_wait3A_341 = arith.constant 0 : i32
        %dma_wait3A_342 = arith.constant 0 : i32
        %dma_wait3A_343 = tpu.memref_slice %arg6[%dma_wait3A_332, %dma_wait3A_341, %dma_wait3A_342] : memref<6x256x64xf32, #tpu.memory_space<vmem>> -> memref<1x256x64xf32, #tpu.memory_space<vmem>>
        %dma_wait3A_344 = tpu.memref_squeeze %dma_wait3A_343 : memref<1x256x64xf32, #tpu.memory_space<vmem>> -> memref<256x64xf32, #tpu.memory_space<vmem>>
        tpu.wait_dma2 semaphore(%arg16 : memref<!tpu.dma_semaphore, #tpu.memory_space<semaphore_mem>>) src(%dma_wait3A_344 : memref<256x64xf32, #tpu.memory_space<vmem>>) dst(%dma_wait3A_340 : memref<256x64xf32, #tpu.memory_space<hbm>>)
      } else {
      }
      %lt3A_327 = arith.constant 18 : i32
      %lt3A_328 = arith.cmpi slt, %sub3A_321, %lt3A_327 : i32
      %convert_element_type3A_329 = arith.extui %lt3A_328 : i1 to i32
      %cond3A_330 = arith.constant 0 : i32
      %cond3A_331 = arith.cmpi ne, %convert_element_type3A_329, %cond3A_330 : i32
      scf.if %cond3A_331 {
        %mul3A_332 = arith.constant 256 : i32
        %mul3A_333 = arith.muli %sub3A_321, %mul3A_332 : i32
        %dma_start3A_334 = arith.constant 3 : i32
        %dma_start3A_335 = arith.constant 0 : i32
        %dma_start3A_336 = arith.constant 0 : i32
        %dma_start3A_337 = tpu.memref_slice %arg6[%dma_start3A_334, %dma_start3A_335, %dma_start3A_336] : memref<6x256x64xf32, #tpu.memory_space<vmem>> -> memref<1x256x64xf32, #tpu.memory_space<vmem>>
        %dma_start3A_338 = tpu.memref_squeeze %dma_start3A_337 : memref<1x256x64xf32, #tpu.memory_space<vmem>> -> memref<256x64xf32, #tpu.memory_space<vmem>>
        %dma_start3A_339 = tpu.memref_slice %arg5[%mul3A_333] : memref<4608xi32, #tpu.memory_space<vmem>> -> memref<256xi32, #tpu.memory_space<vmem>>
        %dma_start3A_340 = arith.constant 0 : i32
        %dma_start3A_341 = arith.constant 0 : i32
        %dma_start3A_342 = tpu.memref_slice %arg2[%dma_start3A_340, %dma_start3A_341] : memref<100000x64xf32, #tpu.memory_space<hbm>> -> memref<100000x64xf32, #tpu.memory_space<hbm>>
        tpu.enqueue_indirect_dma source(%dma_start3A_342 : memref<100000x64xf32, #tpu.memory_space<hbm>>) target(%dma_start3A_338 : memref<256x64xf32, #tpu.memory_space<vmem>>) offsets(%dma_start3A_339 : memref<256xi32, #tpu.memory_space<vmem>>) semaphore(%arg10 : memref<!tpu.dma_semaphore, #tpu.memory_space<semaphore_mem>>)
      } else {
      }
    }
    %scan3A_46 = arith.constant 3 : i32
    %dma_wait3A = arith.constant 4 : i32
    %dma_wait3A_47 = arith.constant 0 : i32
    %dma_wait3A_48 = arith.constant 0 : i32
    %dma_wait3A_49 = tpu.memref_slice %arg6[%dma_wait3A, %dma_wait3A_47, %dma_wait3A_48] : memref<6x256x64xf32, #tpu.memory_space<vmem>> -> memref<1x256x64xf32, #tpu.memory_space<vmem>>
    %dma_wait3A_50 = tpu.memref_squeeze %dma_wait3A_49 : memref<1x256x64xf32, #tpu.memory_space<vmem>> -> memref<256x64xf32, #tpu.memory_space<vmem>>
    %dma_wait3A_51 = arith.constant 0 : i32
    %dma_wait3A_52 = tpu.memref_slice %arg4[%mul3A_2, %dma_wait3A_51] : memref<147456x64xf32, #tpu.memory_space<hbm>> -> memref<256x64xf32, #tpu.memory_space<hbm>>
    %dma_wait3A_53 = arith.constant 0 : i32
    %dma_wait3A_54 = tpu.memref_slice %arg4[%mul3A_2, %dma_wait3A_53] : memref<147456x64xf32, #tpu.memory_space<hbm>> -> memref<256x64xf32, #tpu.memory_space<hbm>>
    %dma_wait3A_55 = arith.constant 0 : i32
    %dma_wait3A_56 = arith.constant 0 : i32
    %dma_wait3A_57 = tpu.memref_slice %arg6[%dma_wait3A, %dma_wait3A_55, %dma_wait3A_56] : memref<6x256x64xf32, #tpu.memory_space<vmem>> -> memref<1x256x64xf32, #tpu.memory_space<vmem>>
    %dma_wait3A_58 = tpu.memref_squeeze %dma_wait3A_57 : memref<1x256x64xf32, #tpu.memory_space<vmem>> -> memref<256x64xf32, #tpu.memory_space<vmem>>
    tpu.wait_dma2 semaphore(%arg17 : memref<!tpu.dma_semaphore, #tpu.memory_space<semaphore_mem>>) src(%dma_wait3A_58 : memref<256x64xf32, #tpu.memory_space<vmem>>) dst(%dma_wait3A_54 : memref<256x64xf32, #tpu.memory_space<hbm>>)
    %dma_wait3A_59 = arith.constant 5 : i32
    %dma_wait3A_60 = arith.constant 0 : i32
    %dma_wait3A_61 = arith.constant 0 : i32
    %dma_wait3A_62 = tpu.memref_slice %arg6[%dma_wait3A_59, %dma_wait3A_60, %dma_wait3A_61] : memref<6x256x64xf32, #tpu.memory_space<vmem>> -> memref<1x256x64xf32, #tpu.memory_space<vmem>>
    %dma_wait3A_63 = tpu.memref_squeeze %dma_wait3A_62 : memref<1x256x64xf32, #tpu.memory_space<vmem>> -> memref<256x64xf32, #tpu.memory_space<vmem>>
    %dma_wait3A_64 = arith.constant 0 : i32
    %dma_wait3A_65 = tpu.memref_slice %arg4[%mul3A_2, %dma_wait3A_64] : memref<147456x64xf32, #tpu.memory_space<hbm>> -> memref<256x64xf32, #tpu.memory_space<hbm>>
    %dma_wait3A_66 = arith.constant 0 : i32
    %dma_wait3A_67 = tpu.memref_slice %arg4[%mul3A_2, %dma_wait3A_66] : memref<147456x64xf32, #tpu.memory_space<hbm>> -> memref<256x64xf32, #tpu.memory_space<hbm>>
    %dma_wait3A_68 = arith.constant 0 : i32
    %dma_wait3A_69 = arith.constant 0 : i32
    %dma_wait3A_70 = tpu.memref_slice %arg6[%dma_wait3A_59, %dma_wait3A_68, %dma_wait3A_69] : memref<6x256x64xf32, #tpu.memory_space<vmem>> -> memref<1x256x64xf32, #tpu.memory_space<vmem>>
    %dma_wait3A_71 = tpu.memref_squeeze %dma_wait3A_70 : memref<1x256x64xf32, #tpu.memory_space<vmem>> -> memref<256x64xf32, #tpu.memory_space<vmem>>
    tpu.wait_dma2 semaphore(%arg18 : memref<!tpu.dma_semaphore, #tpu.memory_space<semaphore_mem>>) src(%dma_wait3A_71 : memref<256x64xf32, #tpu.memory_space<vmem>>) dst(%dma_wait3A_67 : memref<256x64xf32, #tpu.memory_space<hbm>>)
    return
  }
}

module attributes {stable_mosaic.version = 14 : i64} {
  func.func @_mlp_body(%arg0: i32, %arg1: memref<512x2304xf32, #tpu.memory_space<vmem>>, %arg2: memref<1024x2304xbf16, #tpu.memory_space<vmem>>, %arg3: memref<1x1024xf32, #tpu.memory_space<vmem>>, %arg4: memref<3x1024xbf16, #tpu.memory_space<vmem>>, %arg5: memref<1x3xf32, #tpu.memory_space<vmem>>, %arg6: memref<512x3xf32, #tpu.memory_space<vmem>>) attributes {dimension_semantics = [#tpu.dimension_semantics<arbitrary>], iteration_bounds = array<i64: 8>, scalar_prefetch = 0 : i64, scratch_operands = 0 : i64, tpu.core_type = #tpu.core_type<tc>, window_params = [{transform_indices = @transform_0, window_bounds = array<i64: 512, 2304>}, {pipeline_mode = #tpu.pipeline_mode<synchronous>, transform_indices = @transform_1, window_bounds = array<i64: 1024, 2304>}, {pipeline_mode = #tpu.pipeline_mode<synchronous>, transform_indices = @transform_2, window_bounds = array<i64: 1, 1024>}, {pipeline_mode = #tpu.pipeline_mode<synchronous>, transform_indices = @transform_3, window_bounds = array<i64: 3, 1024>}, {pipeline_mode = #tpu.pipeline_mode<synchronous>, transform_indices = @transform_4, window_bounds = array<i64: 1, 3>}, {transform_indices = @transform_5, window_bounds = array<i64: 512, 3>}]} {
    %get3A = arith.constant 0 : index
    %get3A_0 = arith.constant 0 : index
    %get3A_1 = vector.load %arg1[%get3A, %get3A_0] : memref<512x2304xf32, #tpu.memory_space<vmem>>, vector<512x2304xf32>
    %convert_element_type3A = arith.truncf %get3A_1 : vector<512x2304xf32> to vector<512x2304xbf16>
    %get3A_2 = arith.constant 0 : index
    %get3A_3 = arith.constant 0 : index
    %get3A_4 = vector.load %arg2[%get3A_2, %get3A_3] : memref<1024x2304xbf16, #tpu.memory_space<vmem>>, vector<1024x2304xbf16>
    %dot_general3A = arith.constant dense<0.000000e+00> : vector<512x1024xf32>
    %dot_general3A_5 = tpu.matmul %convert_element_type3A, %get3A_4, %dot_general3A {dimension_numbers = #tpu.dot_dimension_numbers<[1], [1], [0], [0], [0, 0, 1, 0], [], []>, transpose_lhs_hint = false} : vector<512x2304xbf16>, vector<1024x2304xbf16>, vector<512x1024xf32> -> vector<512x1024xf32>
    %get3A_6 = arith.constant 0 : index
    %get3A_7 = arith.constant 0 : index
    %get3A_8 = vector.load %arg3[%get3A_6, %get3A_7] : memref<1x1024xf32, #tpu.memory_space<vmem>>, vector<1x1024xf32>
    %add3A = vector.broadcast %get3A_8 : vector<1x1024xf32> to vector<512x1024xf32>
    %add3A_9 = arith.addf %dot_general3A_5, %add3A : vector<512x1024xf32>
    %max3A = arith.constant 0.000000e+00 : f32
    %max3A_10 = vector.broadcast %max3A : f32 to vector<512x1024xf32>
    %max3A_11 = arith.maximumf %add3A_9, %max3A_10 : vector<512x1024xf32>
    %convert_element_type3A_12 = arith.truncf %max3A_11 : vector<512x1024xf32> to vector<512x1024xbf16>
    %get3A_13 = arith.constant 0 : index
    %get3A_14 = arith.constant 0 : index
    %get3A_15 = vector.load %arg4[%get3A_13, %get3A_14] : memref<3x1024xbf16, #tpu.memory_space<vmem>>, vector<3x1024xbf16>
    %dot_general3A_16 = arith.constant dense<0.000000e+00> : vector<512x3xf32>
    %dot_general3A_17 = tpu.matmul %convert_element_type3A_12, %get3A_15, %dot_general3A_16 {dimension_numbers = #tpu.dot_dimension_numbers<[1], [1], [0], [0], [0, 0, 1, 0], [], []>, transpose_lhs_hint = false} : vector<512x1024xbf16>, vector<3x1024xbf16>, vector<512x3xf32> -> vector<512x3xf32>
    %get3A_18 = arith.constant 0 : index
    %get3A_19 = arith.constant 0 : index
    %get3A_20 = vector.load %arg5[%get3A_18, %get3A_19] : memref<1x3xf32, #tpu.memory_space<vmem>>, vector<1x3xf32>
    %add3A_21 = vector.broadcast %get3A_20 : vector<1x3xf32> to vector<512x3xf32>
    %add3A_22 = arith.addf %dot_general3A_17, %add3A_21 : vector<512x3xf32>
    %swap3A = arith.constant 0 : index
    %swap3A_23 = arith.constant 0 : index
    %swap3A_24 = vector.load %arg6[%swap3A, %swap3A_23] : memref<512x3xf32, #tpu.memory_space<vmem>>, vector<512x3xf32>
    tpu.vector_store %arg6[%swap3A, %swap3A_23], %add3A_22 {strides = array<i32>} : memref<512x3xf32, #tpu.memory_space<vmem>>, vector<512x3xf32>,
    return
  }
  func.func @transform_0(%arg0: i32) -> (i32, i32) {
    %c0_i32 = arith.constant 0 : i32
    %c0_i32_0 = arith.constant 0 : i32
    return %arg0, %c0_i32 : i32, i32
  }
  func.func @transform_1(%arg0: i32) -> (i32, i32) {
    %c0_i32 = arith.constant 0 : i32
    %c0_i32_0 = arith.constant 0 : i32
    %c0_i32_1 = arith.constant 0 : i32
    return %c0_i32, %c0_i32_0 : i32, i32
  }
  func.func @transform_2(%arg0: i32) -> (i32, i32) {
    %c0_i32 = arith.constant 0 : i32
    %c0_i32_0 = arith.constant 0 : i32
    %c0_i32_1 = arith.constant 0 : i32
    return %c0_i32, %c0_i32_0 : i32, i32
  }
  func.func @transform_3(%arg0: i32) -> (i32, i32) {
    %c0_i32 = arith.constant 0 : i32
    %c0_i32_0 = arith.constant 0 : i32
    %c0_i32_1 = arith.constant 0 : i32
    return %c0_i32, %c0_i32_0 : i32, i32
  }
  func.func @transform_4(%arg0: i32) -> (i32, i32) {
    %c0_i32 = arith.constant 0 : i32
    %c0_i32_0 = arith.constant 0 : i32
    %c0_i32_1 = arith.constant 0 : i32
    return %c0_i32, %c0_i32_0 : i32, i32
  }
  func.func @transform_5(%arg0: i32) -> (i32, i32) {
    %c0_i32 = arith.constant 0 : i32
    %c0_i32_0 = arith.constant 0 : i32
    return %arg0, %c0_i32 : i32, i32
  }
}

</mosaic_0001>

<sc_bundles>
// kernel: kernel.4.cloned.1.call-start
scs
__scs_entry_jumppad:
0x0: {  	(pc) =	sbr.rel $0x88, $3  }
0x1: {  	(tag) =	ssettag $0x0;
	lr =	simm.s32 $0x1  }
0x2: {  	[smem:$0x3F9B] =	sst lr;
	_ =	strace $0xD0000000  }
0x3: {  	_ = 	snop  }
0x4: {  	_ = 	snop  }
0x5: {  	_ = 	snop  }
0x6: {  	_ = 	snop  }
0x7: {  	_ = 	snop  }
__scs_overlays_trampoline_lowered:
0x8: {  	[smem:$0x3FAA] =	sst s0  }
0x9: {  	[smem:$0x3FAB] =	sst s1  }
0xa: {  	[smem:$0x3FAC] =	sst s2  }
0xb: {  	[smem:$0x3FAD] =	sst s3  }
0xc: {  	[smem:$0x3FAE] =	sst s4  }
0xd: {  	[smem:$0x3FAF] =	sst s5  }
0xe: {  	[smem:$0x3FB0] =	sst s6  }
0xf: {  	[smem:$0x3FB1] =	sst s7  }
0x10: {  	[smem:$0x3FB2] =	sst s8  }
0x11: {  	[smem:$0x3FB3] =	sst s9;
	s0 =	simm.s32 @!p0 $0x0  }
0x12: {  	s1 =	sld [smem:$0x3F99];
	s0 =	simm.s32 @p0 $0x1  }
0x13: {  	[smem:$0x3FB4] =	sst s0;
	s0 =	simm.s32 @!p1 $0x0  }
0x14: {  	s2 =	sld [smem:$0x3F98];
	s0 =	simm.s32 @p1 $0x1  }
0x15: {  	[smem:$0x3FB5] =	sst s0;
	s0 =	simm.s32 @!p2 $0x0  }
0x16: {  	s3 =	sld [smem:$0x3FDB];
	s0 =	simm.s32 @p2 $0x1  }
0x17: {  	s4 =	simm.s32 $0x1BF5;
	[smem:$0x3FB7] =	sst s0  }
0x18: {  	s0 =	sld [smem:$0x3F9A];
	_ =	swait.ge [sflag:s4], $0x0  }
0x19: {  	s7 =	sld [smem:$0x3F9B]  }
0x1a: {  	s8 =	sadd.s32 $0xFFFFE003, lr  }
0x1b: {  	s9 =	sadd.s32 $0xFFFFFEF7, lr;
	s5 =	simm.s32 $0xFFFFFFFF;
	p2 =	slt.u32 s8, $0xFFFFF086  }
0x1c: {  	p1 =	slt.u32 s9, $0xF7A;
	s5 =	simm.s32 @!p2 $0x0  }
0x1d: {  	s5 =	simm.s32 @p1 $0x1;
	p0 =	seq.s32 s7, s2  }
0x1e: {  	s7 =	smul.u32 @!p0 $0xF7A, s2;
	p2 =	seq.s32 @!p0 s5, $0x0  }
0x1f: {  	s9 =	smul.u32 $0xF7A, s1;
	s8 =	simm.s32 @!p0 $0x1BF5;
	p2 =	por !p2, p0  }
0x20: {  	[sflag:s8] =	ssyncset.s32 @!p0 $0xFFFFF086;
	s6 =	sadd.s32 @!p0 s3, s7;
	s7 =	simm.s32 @!p0 $0x108  }
0x21: {  	s3 =	sadd.s32 s3, s9;
	s6 =	sadd.s32 @!p0 $0x88, s6;
	s7 =	simm.s32 @p2 $0x1082  }
0x22: {  	[simem:s7], [sflag:s8] =	dma.local @!p0 [hbm:s6], $0xF7A  }
0x23: {  	s9 =	sor.u32 $0xD0000000, s2;
	s6 =	simm.s32 $0x108;
	_ =	swait.ge @!p0 [sflag:s8], $0x0  }
0x24: {  	s3 =	sadd.s32 $0x88, s3;
	s6 =	simm.s32 @!p1 $0x1082;
	[sflag:s4] =	ssyncset.s32 $0xFFFFF086  }
0x25: {  	[simem:s6], [sflag:s4] =	dma.local [hbm:s3], $0xF7A  }
0x26: {  	[smem:$0x3F9B] =	sst s1;
	(tag) =	ssettag s2;
	_ =	strace s9  }
0x27: {  	s1 =	sld [smem:$0x3FAB]  }
0x28: {  	s2 =	sld [smem:$0x3FAC]  }
0x29: {  	s4 =	sld [smem:$0x3FAE]  }
0x2a: {  	p0 =	seq.s32 s5, $0x0;
	s5 =	sld [smem:$0x3FAF]  }
0x2b: {  	s6 =	sld [smem:$0x3FB0]  }
0x2c: {  	s7 =	sld [smem:$0x3FB1]  }
0x2d: {  	s3 =	simm.s32 $0x108;
	s8 =	sld [smem:$0x3FB2]  }
0x2e: {  	s3 =	simm.s32 @!p0 $0x1082;
	s9 =	sld [smem:$0x3FB3]  }
0x2f: {  	lr =	sadd.s32 s0, s3;
	s0 =	sld [smem:$0x3FAA]  }
0x30: {  	s3 =	sld [smem:$0x3FAD]  }
0x31: {  	[smem:$0x3FB6] =	sst s10  }
0x32: {  	s10 =	sld [smem:$0x3FB4];
	_ =	sdelay $0x3  }
0x33: {  	p0 =	seq.s32 s10, $0x1;
	s10 =	sld [smem:$0x3FB6];
	_ =	sdelay $0x3  }
0x34: {  	[smem:$0x3FB6] =	sst s10  }
0x35: {  	s10 =	sld [smem:$0x3FB5];
	_ =	sdelay $0x3  }
0x36: {  	p1 =	seq.s32 s10, $0x1;
	s10 =	sld [smem:$0x3FB6];
	_ =	sdelay $0x3  }
0x37: {  	[smem:$0x3FB6] =	sst s10  }
0x38: {  	s10 =	sld [smem:$0x3FB7]  }
0x39: {  	_ = 	snop;
	(pc) =	sbr.ind lr, $3  }
0x3a: {  	_ = 	snop  }
0x3b: {  	_ = 	snop  }
0x3c: {  	p2 =	seq.s32 s10, $0x1;
	s10 =	sld [smem:$0x3FB6]  }
0x3d: {  	_ =	shalt  }
0x3e: {  	_ =	shalt  }
0x3f: {  	_ =	shalt  }
0x40: {  	_ =	shalt  }
0x41: {  	_ =	shalt  }
0x42: {  	_ =	shalt  }
0x43: {  	_ =	shalt  }
0x44: {  	_ =	shalt  }
0x45: {  	_ =	shalt  }
0x46: {  	_ =	shalt  }
0x47: {  	_ =	shalt  }
0x48: {  	_ =	shalt  }
0x49: {  	_ =	shalt  }
0x4a: {  	_ =	shalt  }
0x4b: {  	_ =	shalt  }
0x4c: {  	_ =	shalt  }
0x4d: {  	_ =	shalt  }
0x4e: {  	_ =	shalt  }
0x4f: {  	_ =	shalt  }
0x50: {  	_ =	shalt  }
0x51: {  	_ =	shalt  }
0x52: {  	_ =	shalt  }
0x53: {  	_ =	shalt  }
0x54: {  	_ =	shalt  }
0x55: {  	_ =	shalt  }
0x56: {  	_ =	shalt  }
0x57: {  	_ =	shalt  }
0x58: {  	_ =	shalt  }
0x59: {  	_ =	shalt  }
0x5a: {  	_ =	shalt  }
0x5b: {  	_ =	shalt  }
0x5c: {  	_ =	shalt  }
0x5d: {  	_ =	shalt  }
0x5e: {  	_ =	shalt  }
0x5f: {  	_ =	shalt  }
0x60: {  	_ =	shalt  }
0x61: {  	_ =	shalt  }
0x62: {  	_ =	shalt  }
0x63: {  	_ =	shalt  }
0x64: {  	_ =	shalt  }
0x65: {  	_ =	shalt  }
0x66: {  	_ =	shalt  }
0x67: {  	_ =	shalt  }
0x68: {  	_ =	shalt  }
0x69: {  	_ =	shalt  }
0x6a: {  	_ =	shalt  }
0x6b: {  	_ =	shalt  }
0x6c: {  	_ =	shalt  }
0x6d: {  	_ =	shalt  }
0x6e: {  	_ =	shalt  }
0x6f: {  	_ =	shalt  }
0x70: {  	_ =	shalt  }
0x71: {  	_ =	shalt  }
0x72: {  	_ =	shalt  }
0x73: {  	_ =	shalt  }
0x74: {  	_ =	shalt  }
0x75: {  	_ =	shalt  }
0x76: {  	_ =	shalt  }
0x77: {  	_ =	shalt  }
0x78: {  	_ =	shalt  }
0x79: {  	_ =	shalt  }
0x7a: {  	_ =	shalt  }
0x7b: {  	_ =	shalt  }
0x7c: {  	_ =	shalt  }
0x7d: {  	_ =	shalt  }
0x7e: {  	_ =	shalt  }
0x7f: {  	_ =	shalt  }
0x80: {  	_ =	shalt  }
0x81: {  	_ =	shalt  }
0x82: {  	_ =	shalt  }
0x83: {  	_ =	shalt  }
0x84: {  	_ =	shalt  }
0x85: {  	_ =	shalt  }
0x86: {  	_ =	shalt  }
0x87: {  	_ =	shalt  }
.Lfunc_end0:
.L_simem_size_0:
called_computation_lowered:
.L_overlay_start_0:
0x88: {  	s2 =	sld [smem:$0x3FD9]  }
0x89: {  	s3 =	sld [smem:$0x3FFE];
	_ =	sdelay $0x1  }
0x8a: {  	s1 =	srdreg.scid  }
0x8b: {  	s0 =	sand.u32 $0x1, s1  }
0x8c: {  	s16 =	sshll.u32 s0, $0xA;
	s2 =	sadd.s32 s3, s2  }
0x8d: {  	s2 =	sadd.s32 s2, s16  }
0x8e: {  	[smem:$0x3FC2] =	sst s2  }
0x8f: {  	_ = 	snop  }
0x90: {  	(tm) =	ssettm $0x1  }
0x91: {  	s17 =	sld [smem:$0x3FFB];
	_ =	sdelay $0x3  }
0x92: {  	_ =	strace s17  }
0x93: {  	s2 =	sld [smem:$0x3FFC];
	_ =	sdelay $0x3  }
0x94: {  	_ =	strace s2  }
0x95: {  	s2 =	sld [smem:$0x3FFD];
	_ =	sdelay $0x3  }
0x96: {  	_ =	strace s2  }
0x97: {  	_ =	strace $0x8FFFFFFF  }
0x98: {  	s18 =	sld [smem:$0x3FDB];
	_ =	sdelay $0x1  }
0x99: {  	s19 =	simm.s32 $_scs_section_size  }
0x9a: {  	s4 =	simm.s32 $_size__tile_overlayer_lowered;
	s5 =	simm.s32 $_tile_overlayer_lowered  }
0x9b: {  	s22 =	simm.s32 $0x1BFF;
	s21 =	sshll.u32 s5, $0x1;
	s2 =	sadd.s32 s19, s18  }
0x9c: {  	s6 =	simm.s32 $0x0;
	s20 =	sshll.u32 s4, $0x1;
	s4 =	sadd.s32 s21, s2  }
0x9d: {  	[timem:s6], [sflag:s22] =	dma.local [hbm:s4], s20  }
0x9e: {  	_ =	swait.ge [sflag:s22], s20  }
0x9f: {  	s3 =	ssub.s32 $0x0, s20;
	[sflag:s22] =	ssyncset.done $0x0  }
0xa0: {  	[sflag:s22] =	ssyncadd.s32 s3;
	_ =	sdelay $0x1  }
0xa1: {  	s23 =	simm.s32 $0x1B8B  }
0xa2: {  	_ =	swait.ge [sflag:s23], $0x1  }
0xa3: {  	[sflag:s23] =	ssyncset.done $0x0  }
0xa4: {  	s25 =	simm.s32 $0x1B8E;
	s24 =	sld [smem:$0x3FFE];
	[sflag:s23] =	ssyncadd.s32 $0xFFFFFFFF  }
0xa5: {  	s26 =	simm.s32 $execute0_lowered;
	[smem:$0x3FD2] =	sst s25  }
0xa6: {  	s4 =	sshll.u32 s26, $0x1;
	_ =	strace $0x80000046;
	[dreg:$0x1] =	wrdreg $0xFFFFFFFF  }
0xa7: {  	s28 =	simm.s32 $_size_execute0_lowered;
	s2 =	sadd.s32 s2, s4;
	[dreg:$0x0] =	wrdreg $0x0  }
0xa8: {  	s4 =	sshll.u32 s28, $0x1;
	[dreg:$0x2] =	wrdreg s2  }
0xa9: {  	[dreg:$0x3] =	wrdreg s4  }
0xaa: {  	[dreg:$0x4] =	wrdreg $0xC0  }
0xab: {  	_ =	task [dreg:s6], $0x5FFFF  }
0xac: {  	[dreg:$0x1] =	wrdreg $0xFFFFFFFF  }
0xad: {  	[dreg:$0x0] =	wrdreg $0x60  }
0xae: {  	[dreg:$0x2] =	wrdreg s24  }
0xaf: {  	[dreg:$0x3] =	wrdreg $0x9  }
0xb0: {  	_ =	task.clear_ibuf [dreg:s6], $0x4FFFF;
	_ =	strace $0x90000046  }
0xb1: {  	s29 =	simm.s32 $0x9;
	_ =	strace $0x80000048  }
0xb2: {  	_ =	swait.ge [sflag:s29], $0x1  }
0xb3: {  	[sflag:s29] =	ssyncadd.s32 $0xFFFFFFFF  }
0xb4: {  	_ =	strace $0x90000048  }
0xb5: {  	_ =	sfence  }
0xb6: {  	s30 =	sld [smem:$0x0];
	_ =	sdelay $0x2  }
0xb7: {  	s31 =	sshll.u32 s1, $0xD;
	s1 =	sshrl.u32 s1, $0x2  }
0xb8: {  	s3 =	sand.u32 $0x4000, s31;
	s1 =	sadd.s32 s1, s30  }
0xb9: {  	s0 =	sor.u32 s3, s0;
	s1 =	sshll.u32 s1, $0x11  }
0xba: {  	s0 =	sor.u32 s1, s0  }
0xbb: {  	s0 =	sadd.s32 $0x8F2B, s0  }
0xbc: {  	[sflag:s0] =	ssyncadd.remote.s32 $0x1  }
0xbd: {  	_ =	sfence.sel $0xFFFF  }
0xbe: {  	[dreg:$0x0] =	wrdreg $0xFFFFFFFF;
	(pc) =	sbr.abs _section_cstart, $3  }
0xbf: {  	[dreg:$0x1] =	wrdreg $0xFFFFFFFF  }
0xc0: {  	_ =	task.clear_ibuf [dreg:s6], $0x2FFFF;
	_ =	strace $0x9FFFFFFF  }
0xc1: {  	(tm) =	ssettm $0x7FFFFFFF  }
tec
execute0_lowered:
.L_overlay_start_1:
0x0: {  	(tag) =	ssettag $0x1  }
0x1: {  	s0 =	srdreg.scid;
	s9 =	stileid.u32  }
0x2: {  	s4 =	rddreg [dreg:$0x0];
	s2 =	simm.s32 $0x0;
	s13 =	simm.s32 $0x100  }
0x3: {  	s14 =	simm.s32 $0x1200;
	s15 =	simm.s32 $0x5200;
	s28 =	simm.s32 $0x8  }
0x4: {  	s29 =	simm.s32 $0x5;
	s30 =	simm.s32 $0x9;
	s31 =	simm.s32 $0x6  }
0x5: {  	s0 =	sand.u32 $0x1, s0;
	[smem:$0x7FF] =	sst s2;
	s6 =	smul.u32 $0x48000, s9  }
0x6: {  	s3 =	sadd.s32 $0x188200, s4;
	s23 =	smul.u32 $0x9000, s9;
	s1 =	sshll.u32 s0, $0x4  }
0x7: {  	s5 =	smul.u32 $0x480000, s0;
	_ =	strace $0x80000047;
	s7 =	ssub.s32 $0x2, s0  }
0x8: {  	s0 =	smul.u32 $0x90000, s0;
	s1 =	sor.u32 s9, s1;
	s8 =	sshrl.u32 s7, $0x1  }
0x9: {  	s1 =	smul.u32 $0x1200, s1;
	s5 =	sadd.s32 s6, s5;
	s17 =	ssub.s32 s7, s8  }
0xa: {  	s18 =	sadd.s32 $0xC000, s5;
	s6 =	smax.u32 s17, $0x1;
	s19 =	sadd.s32 $0x8000, s5  }
0xb: {  	s21 =	sor.u32 $0x4000, s5;
	s24 =	sadd.s32 $0x14000, s5;
	s5 =	sadd.s32 $0x10000, s5  }
0xc: {  	s17 =	simm.s32 $0x9200;
	s1 =	sshrl.u32 s1, $0x3;
	[dreg:$0x3] =	wrdreg s6  }
0xd: {  	s20 =	sshrl.u32 s19, $0x3;
	s22 =	sshrl.u32 s21, $0x3;
	s6 =	sshrl.u32 s24, $0x3  }
0xe: {  	s26 =	sshrl.u32 s5, $0x3;
	s19 =	simm.s32 $0xD200;
	s21 =	simm.s32 $0x11200  }
0xf: {  	s24 =	simm.s32 $0x3;
	s1 =	sadd.s32 s1, s4;
	s4 =	sadd.s32 $0x6000, s4  }
0x10: {  	s5 =	simm.s32 $0x0;
	s1 =	sadd.s32 $0x1800, s1;
	s0 =	sadd.s32 s0, s4  }
0x11: {  	s25 =	sadd.s32 s6, s4;
	[dreg:$0x2] =	wrdreg s1;
	s1 =	sshrl.u32 s18, $0x3  }
0x12: {  	s0 =	sadd.s32 s23, s0;
	[dreg:$0x8] =	wrdreg s25;
	s23 =	simm.s32 $0x15200  }
.Ltmp0:
0x13: {  	s1 =	sadd.s32 s1, s4;
	[dreg:$0x7] =	wrdreg s0;
	(pc) =	sbr.rel .LBB2_1-.Ltmp0, $4  }
0x14: {  	s25 =	simm.s32 $0x7;
	s0 =	sadd.s32 s26, s4;
	[dreg:$0x4] =	wrdreg s1  }
0x15: {  	s26 =	simm.s32 $0x4;
	s1 =	sadd.s32 s20, s4;
	[dreg:$0x9] =	wrdreg s0  }
0x16: {  	s20 =	simm.s32 $0x1;
	[dreg:$0x5] =	wrdreg s1;
	s1 =	sadd.s32 s22, s4  }
0x17: {  	s22 =	simm.s32 $0x2;
	[dreg:$0x6] =	wrdreg s1;
	s1 =	simm.s32 $0xA  }
.LBB2_4:
0x18: {  	s0 =	simm.s32 $0xB  }
0x19: {  	_ =	swait.ge [sflag:s0], $0x4000  }
0x1a: {  	[sflag:s0] =	ssyncset.done $0x0  }
0x1b: {  	s4 =	simm.s32 $0xC;
	[sflag:s0] =	ssyncadd.s32 $0xFFFFC000  }
0x1c: {  	_ =	swait.ge [sflag:s4], $0x4000  }
0x1d: {  	s5 =	rddreg [dreg:$0xa]  }
0x1e: {  	s18 =	rddreg [dreg:$0x3];
	s5 =	sadd.s32 $0x1, s5  }
0x1f: {  	p0 =	sne.s32 s5, s18  }
.Ltmp1:
0x20: {  	_ = 	snop;
	(pc) =	sbr.rel @!p0 .LBB2_5-.Ltmp1, $3  }
0x21: {  	_ =	sdelay $0x1  }
0x22: {  	[sflag:s4] =	ssyncset.done $0x0  }
0x23: {  	[sflag:s4] =	ssyncadd.s32 $0xFFFFC000  }
.LBB2_1:
0x24: {  	[dreg:$0xa] =	wrdreg s5  }
0x25: {  	s0 =	rddreg [dreg:$0x2];
	s12 =	simm.s32 $0xD  }
0x26: {  	[tilespmem:s2], [sflag:$0xD] =	stream.linear.gather [hbm4b:s0+s2], $0x1200, $0x38;
	[tilespmem:$0x19200] =	vst v63  }
0x27: {  	_ =	swait.ge [sflag:s12], $0x1200  }
0x28: {  	s11 =	rddreg [dreg:$0x9]  }
0x29: {  	[sflag:s12] =	ssyncset.done $0x0;
	s10 =	rddreg [dreg:$0x8]  }
0x2a: {  	s9 =	rddreg [dreg:$0x7];
	[sflag:s12] =	ssyncadd.s32 $0xFFFFEE00  }
0x2b: {  	[tilespmem:s14], [sflag:$0x1] =	stream.indirect.gather [hbm4b:s3+s13], $0x40, s2, s13, $0xb8;
	[tilespmem:$0x19200] =	vst v63  }
0x2c: {  	s8 =	rddreg [dreg:$0x6]  }
0x2d: {  	[tilespmem:s15], [sflag:$0x2] =	stream.indirect.gather [hbm4b:s3+s13], $0x40, s13, s13, $0xb8;
	[tilespmem:$0x19200] =	vst v63  }
0x2e: {  	s16 =	simm.s32 $0x200;
	s7 =	rddreg [dreg:$0x5]  }
0x2f: {  	[tilespmem:s17], [sflag:$0x3] =	stream.indirect.gather [hbm4b:s3+s13], $0x40, s16, s13, $0xb8;
	[tilespmem:$0x19200] =	vst v63  }
0x30: {  	s18 =	simm.s32 $0x300;
	s5 =	simm.s32 $0x0;
	s6 =	rddreg [dreg:$0x4]  }
0x31: {  	[tilespmem:s19], [sflag:$0x4] =	stream.indirect.gather [hbm4b:s3+s13], $0x40, s18, s13, $0xb8;
	[tilespmem:$0x19200] =	vst v63  }
.LBB2_2:
0x32: {  	_ =	swait.ge [sflag:s20], $0x4000  }
0x33: {  	p0 =	seq.s32 s5, $0x0;
	[sflag:s20] =	ssyncset.done $0x0  }
0x34: {  	s12 =	simm.s32 @!p0 $0xB;
	[sflag:s20] =	ssyncadd.s32 $0xFFFFC000  }
0x35: {  	[hbm4b:s9+s2] =	stream.linear.scatter [tilespmem:s14], [sflag:$0x7], $0x4000, $0x38;
	[tilespmem:$0x19200] =	vst v63  }
0x36: {  	_ =	swait.ge @!p0 [sflag:s12], $0x4000  }
0x37: {  	s4 =	sshra.s32 s5, $0x2;
	[sflag:s12] =	ssyncset.done @!p0 $0x0  }
0x38: {  	s16 =	sadd.s32 $0x400, s4;
	[sflag:s12] =	ssyncadd.s32 @!p0 $0xFFFFC000  }
0x39: {  	[tilespmem:s21], [sflag:$0x5] =	stream.indirect.gather [hbm4b:s3+s13], $0x40, s16, s13, $0xb8;
	[tilespmem:$0x19200] =	vst v63  }
0x3a: {  	_ =	swait.ge [sflag:s22], $0x4000  }
0x3b: {  	[sflag:s22] =	ssyncset.done $0x0  }
0x3c: {  	s12 =	simm.s32 @!p0 $0xC;
	[sflag:s22] =	ssyncadd.s32 $0xFFFFC000  }
0x3d: {  	[hbm4b:s8+s2] =	stream.linear.scatter [tilespmem:s15], [sflag:$0x8], $0x4000, $0x38;
	[tilespmem:$0x19200] =	vst v63  }
0x3e: {  	_ =	swait.ge @!p0 [sflag:s12], $0x4000  }
0x3f: {  	[sflag:s12] =	ssyncset.done @!p0 $0x0  }
0x40: {  	s18 =	sadd.s32 $0x500, s4;
	[sflag:s12] =	ssyncadd.s32 @!p0 $0xFFFFC000  }
0x41: {  	[tilespmem:s23], [sflag:$0x6] =	stream.indirect.gather [hbm4b:s3+s13], $0x40, s18, s13, $0xb8;
	[tilespmem:$0x19200] =	vst v63  }
0x42: {  	_ =	swait.ge [sflag:s24], $0x4000  }
0x43: {  	[sflag:s24] =	ssyncset.done $0x0  }
0x44: {  	[sflag:s24] =	ssyncadd.s32 $0xFFFFC000  }
0x45: {  	[hbm4b:s7+s2] =	stream.linear.scatter [tilespmem:s17], [sflag:$0x9], $0x4000, $0x38;
	[tilespmem:$0x19200] =	vst v63  }
0x46: {  	p0 =	seq.s32 s5, $0x3000;
	_ =	swait.ge [sflag:s25], $0x4000  }
0x47: {  	s12 =	sshra.s32 @!p0 s5, $0x2;
	s16 =	simm.s32 @!p0 $0x100;
	[sflag:s25] =	ssyncset.done $0x0  }
0x48: {  	s18 =	simm.s32 @!p0 $0x1200;
	s0 =	sadd.s32 @!p0 $0x600, s12;
	[sflag:s25] =	ssyncadd.s32 $0xFFFFC000  }
0x49: {  	[tilespmem:s18], [sflag:$0x1] =	stream.indirect.gather @!p0 [hbm4b:s3+s16], $0x40, s0, s16, $0xb8;
	[tilespmem:$0x19200] =	vst v63  }
0x4a: {  	_ =	swait.ge [sflag:s26], $0x4000  }
0x4b: {  	[sflag:s26] =	ssyncset.done $0x0  }
0x4c: {  	[sflag:s26] =	ssyncadd.s32 $0xFFFFC000  }
0x4d: {  	[hbm4b:s6+s2] =	stream.linear.scatter [tilespmem:s19], [sflag:$0xA], $0x4000, $0x38;
	[tilespmem:$0x19200] =	vst v63  }
0x4e: {  	_ =	swait.ge [sflag:s28], $0x4000  }
0x4f: {  	[sflag:s28] =	ssyncset.done $0x0  }
0x50: {  	s0 =	sadd.s32 @!p0 $0x700, s12;
	s18 =	simm.s32 @!p0 $0x5200;
	[sflag:s28] =	ssyncadd.s32 $0xFFFFC000  }
0x51: {  	[tilespmem:s18], [sflag:$0x2] =	stream.indirect.gather @!p0 [hbm4b:s3+s16], $0x40, s0, s16, $0xb8;
	[tilespmem:$0x19200] =	vst v63  }
0x52: {  	_ =	swait.ge [sflag:s29], $0x4000  }
0x53: {  	[sflag:s29] =	ssyncset.done $0x0  }
0x54: {  	[sflag:s29] =	ssyncadd.s32 $0xFFFFC000  }
0x55: {  	[hbm4b:s11+s2] =	stream.linear.scatter [tilespmem:s21], [sflag:$0xB], $0x4000, $0x38;
	[tilespmem:$0x19200] =	vst v63  }
0x56: {  	_ =	swait.ge [sflag:s30], $0x4000  }
0x57: {  	[sflag:s30] =	ssyncset.done $0x0  }
0x58: {  	s0 =	sadd.s32 @!p0 $0x800, s12;
	s12 =	simm.s32 @!p0 $0x9200;
	[sflag:s30] =	ssyncadd.s32 $0xFFFFC000  }
0x59: {  	[tilespmem:s12], [sflag:$0x3] =	stream.indirect.gather @!p0 [hbm4b:s3+s16], $0x40, s0, s16, $0xb8;
	[tilespmem:$0x19200] =	vst v63  }
0x5a: {  	_ =	swait.ge [sflag:s31], $0x4000  }
0x5b: {  	[sflag:s31] =	ssyncset.done $0x0  }
.Ltmp2:
0x5c: {  	[sflag:s31] =	ssyncadd.s32 $0xFFFFC000;
	(pc) =	sbr.rel @p0 .LBB2_4-.Ltmp2, $4  }
0x5d: {  	[hbm4b:s10+s2] =	stream.linear.scatter [tilespmem:s23], [sflag:$0xC], $0x4000, $0x38;
	[tilespmem:$0x19200] =	vst v63  }
0x5e: {  	_ =	swait.ge [sflag:s1], $0x4000  }
0x5f: {  	[sflag:s1] =	ssyncset.done $0x0  }
0x60: {  	[sflag:s1] =	ssyncadd.s32 $0xFFFFC000  }
.Ltmp3:
0x61: {  	(pc) =	sbr.rel .LBB2_2-.Ltmp3, $4  }
0x62: {  	s0 =	sadd.s32 $0x900, s4;
	s5 =	sadd.s32 $0x1800, s5  }
0x63: {  	s6 =	sadd.s32 $0x3000, s6;
	s7 =	sadd.s32 $0x3000, s7;
	s8 =	sadd.s32 $0x3000, s8  }
0x64: {  	s9 =	sadd.s32 $0x3000, s9;
	s10 =	sadd.s32 $0x3000, s10;
	s11 =	sadd.s32 $0x3000, s11  }
0x65: {  	[tilespmem:s19], [sflag:$0x4] =	stream.indirect.gather [hbm4b:s3+s13], $0x40, s0, s13, $0xb8;
	[tilespmem:$0x19200] =	vst v63  }
.LBB2_5:
0x66: {  	_ =	sfence.sel $0x180000  }
0x67: {  	[bflag:$0x0] =	sbarrier.arrive $0xFFFF  }
0x68: {  	_ =	strace $0x90000047  }
0x69: {  	s0 =	stileid.u32;
	[bflag:$0x2] =	sbarrier.arrive $0xFFFF  }
0x6a: {  	p0 =	sne.s32 s0, $0x0;
	s0 =	rddreg [dreg:$0x1]  }
0x6b: {  	s0 =	sadd.s32 @!p0 $0x100000, s0  }
0x6c: {  	[sflag:s0] =	ssyncadd.tile.s32 @!p0 $0x1;
	_ =	shalt  }
.Lfunc_end2:
_tile_overlayer_lowered:
.L_overlay_start_2:
0x6d: {  	(tag) =	ssettag $0x2  }
0x6e: {  	s0 =	rddreg [dreg:$0x0];
	s2 =	stileid.u32  }
0x6f: {  	s1 =	rddreg [dreg:$0x1];
	p0 =	sne.s32 s2, $0x0  }
0x70: {  	s3 =	rddreg [dreg:$0x2];
	[bflag:$0x3] =	sbarrier.arrive $0xFFFF;
	s2 =	simm.s32 @!p0 $0x1C0D  }
0x71: {  	[timem:s3], [sflag:s2] =	dma.local @!p0 [hbm:s0], s1  }
0x72: {  	s0 =	simm.s32 @!p0 $0xD  }
0x73: {  	_ =	swait.ge @!p0 [sflag:s0], s1  }
0x74: {  	s1 =	ssub.s32 @!p0 $0x0, s1;
	[sflag:s0] =	ssyncset.done @!p0 $0x0  }
0x75: {  	[sflag:s0] =	ssyncadd.s32 @!p0 s1  }
0x76: {  	[bflag:$0x3] =	sbarrier.arrive $0xFFFF  }
0x77: {  	_ =	shalt  }

</sc_bundles>
